<compile_context>
chip_gen: v7x
topology: tpu7x:2x2x1
jax: 0.10.2.dev20260603
libtpu: 0.0.44.dev20260713+nightly
codegen_flags: <defaults>
</compile_context>

<pallas_src>
import functools

import jax
import jax.numpy as jnp
from jax import lax
from jax.experimental import pallas as pl
from jax.experimental.pallas import tpu as pltpu
from jax.experimental.pallas import tpu_sc as plsc

N = 10000
DEG = 32
D_IN = 128
D_OUT = 128
D_BOND = 16
H = 8
HD = D_OUT // H
E = N * DEG

_NC = 2
_NS = 16
_NW = _NC * _NS
_PW = E // _NW
_CH = 80
_NCHUNK = _PW // _CH


def _pre_body(x_ref, w_ref, b_ref, o_ref):
    o_ref[...] = lax.dot_general(
        x_ref[...], w_ref[...],
        (((1,), (1,)), ((), ())),
        preferred_element_type=jnp.float32,
        precision=lax.Precision.HIGHEST,
    ) + b_ref[...]


def _pre_call(x, w, b):
    blk = 1000
    return pl.pallas_call(
        _pre_body,
        grid=(N // blk,),
        in_specs=[
            pl.BlockSpec((blk, D_IN), lambda i: (i, 0)),
            pl.BlockSpec((D_OUT, D_IN), lambda i: (0, 0)),
            pl.BlockSpec((1, D_OUT), lambda i: (0, 0)),
        ],
        out_specs=pl.BlockSpec((blk, D_OUT), lambda i: (i, 0)),
        out_shape=jax.ShapeDtypeStruct((N, D_OUT), jnp.float32),
    )(x, w, b)


_NBUF = 4


def _make_ring_body(width):

    def body(idx_hbm, table_hbm, out_hbm, *scratch):
        ia = list(scratch[0:_NBUF])
        ra = list(scratch[_NBUF:2 * _NBUF])
        sga = list(scratch[2 * _NBUF:3 * _NBUF])
        soa = list(scratch[3 * _NBUF:4 * _NBUF])
        wid = lax.axis_index("s") * _NC + lax.axis_index("c")
        base = wid * _PW

        def load_idx(c, b):
            off = pl.multiple_of(base + c * _CH, 8)
            pltpu.sync_copy(idx_hbm.at[pl.ds(off, _CH)], ia[b])

        def start_gather(b):
            pltpu.async_copy(table_hbm.at[ia[b]], ra[b], sga[b])

        for b in range(_NBUF):
            load_idx(b, b)
            start_gather(b)

        def loop_body(i, carry):
            for b in range(_NBUF):
                c = i * _NBUF + b
                off = pl.multiple_of(base + c * _CH, 8)

                @pl.when(c < _NCHUNK)
                def _():
                    pltpu.make_async_copy(table_hbm.at[ia[b]], ra[b],
                                          sga[b]).wait()
                    pltpu.async_copy(ra[b], out_hbm.at[pl.ds(off, _CH)],
                                     soa[b])

                    @pl.when(c + _NBUF < _NCHUNK)
                    def _():
                        load_idx(c + _NBUF, b)
                        pltpu.make_async_copy(
                            ra[b], out_hbm.at[pl.ds(off, _CH)], soa[b]).wait()
                        start_gather(b)

                    @pl.when(c + _NBUF >= _NCHUNK)
                    def _():
                        pltpu.make_async_copy(
                            ra[b], out_hbm.at[pl.ds(off, _CH)], soa[b]).wait()
            return carry

        lax.fori_loop(0, (_NCHUNK + _NBUF - 1) // _NBUF, loop_body, 0)

    return body


def _sc_gather_rows(idx_flat, table, width, tc_tiling):
    mesh = plsc.VectorSubcoreMesh(core_axis_name="c", subcore_axis_name="s")
    scratch = (
        [pltpu.VMEM((_CH,), jnp.int32) for _ in range(_NBUF)]
        + [pltpu.VMEM((_CH, width), jnp.float32) for _ in range(_NBUF)]
        + [pltpu.SemaphoreType.DMA for _ in range(2 * _NBUF)]
    )
    fn = functools.partial(
        pl.kernel,
        mesh=mesh,
        compiler_params=pltpu.CompilerParams(use_tc_tiling_on_sc=tc_tiling),
        out_type=jax.ShapeDtypeStruct((E, width), jnp.float32),
        scratch_types=scratch,
    )(_make_ring_body(width))
    return fn(idx_flat, table)


def _sc_gather(a2a_flat, a2b_flat, h_atoms, edge_attr):
    ga = _sc_gather_rows(a2a_flat, h_atoms, D_OUT, True)
    ge = _sc_gather_rows(a2b_flat, edge_attr, D_BOND, False)
    return ga, ge


def _dot(a, b, prec=lax.Precision.DEFAULT):
    return lax.dot_general(a, b, (((1,), (0,)), ((), ())),
                           preferred_element_type=jnp.float32,
                           precision=prec)


def _post_body(ha_ref, ga_ref, ge_ref, a2a_ref,
               wbig_ref, amat_ref, dmat_ref, smat_ref, rmat_ref,
               wbb_ref, out_ref):
    blk = ha_ref.shape[0]
    ga = ga_ref[...]
    ge128 = jnp.reshape(ge_ref[...], (blk * DEG // 8, 128))
    gbw = _dot(ge128, wbig_ref[...])
    gb = jnp.reshape(gbw, (blk * DEG, D_OUT)) + wbb_ref[...]
    val = ga + gb
    sz = _dot(ga, dmat_ref[...])
    sw = _dot(gb, amat_ref[...])
    src = _dot(ha_ref[...], smat_ref[...])
    scores = jnp.reshape(sz + sw, (blk, DEG, H)) + src[:, None, :]
    scores = jnp.where(scores >= 0, scores, 0.2 * scores)
    a2a3 = jnp.reshape(a2a_ref[...], (blk, DEG, 1))
    scores = jnp.where(a2a3 != 0, scores, jnp.float32(-1e9))
    m = jnp.max(scores, axis=1, keepdims=True)
    ex = jnp.exp(scores - m)
    alpha = ex / jnp.sum(ex, axis=1, keepdims=True)
    arep = _dot(jnp.reshape(alpha, (blk * DEG, H)), rmat_ref[...],
                lax.Precision.DEFAULT)
    out_ref[...] = jnp.sum(jnp.reshape(arep * val, (blk, DEG, D_OUT)), axis=1)


def _post_call(h_atoms, ga, ge_flat, a2a, wbig, amat, dmat, smat, rmat, wbb):
    blk = 200
    return pl.pallas_call(
        _post_body,
        grid=(N // blk,),
        in_specs=[
            pl.BlockSpec((blk, D_OUT), lambda i: (i, 0)),
            pl.BlockSpec((blk * DEG, D_OUT), lambda i: (i, 0)),
            pl.BlockSpec((blk * DEG * D_BOND,), lambda i: (i,)),
            pl.BlockSpec((blk, DEG), lambda i: (i, 0)),
            pl.BlockSpec((D_OUT, 1024), lambda i: (0, 0)),
            pl.BlockSpec((D_OUT, H), lambda i: (0, 0)),
            pl.BlockSpec((D_OUT, H), lambda i: (0, 0)),
            pl.BlockSpec((D_OUT, H), lambda i: (0, 0)),
            pl.BlockSpec((H, D_OUT), lambda i: (0, 0)),
            pl.BlockSpec((1, D_OUT), lambda i: (0, 0)),
        ],
        out_specs=pl.BlockSpec((blk, D_OUT), lambda i: (i, 0)),
        out_shape=jax.ShapeDtypeStruct((N, D_OUT), jnp.float32),
    )(h_atoms, ga, ge_flat, a2a, wbig, amat, dmat, smat, rmat, wbb)


def kernel(x, edge_attr, a2a, a2b, W_atom_w, W_atom_b, W_bond_w, W_bond_b,
           att_src, att_dst, att_edge):
    a2a = a2a.astype(jnp.int32)
    a2b = a2b.astype(jnp.int32)
    h_atoms = _pre_call(x, W_atom_w, W_atom_b.reshape(1, D_OUT))
    ga, ge = _sc_gather(a2a.reshape(E), a2b.reshape(E), h_atoms, edge_attr)

    eye = jnp.eye(H, dtype=jnp.float32)
    def _blockdiag(att):
        a = att.reshape(H, HD)
        return (eye[:, :, None] * a[:, None, :]).transpose(0, 2, 1).reshape(D_OUT, H)
    dmat = _blockdiag(att_dst)
    amat = _blockdiag(att_edge)
    smat = _blockdiag(att_src)
    rmat = jnp.repeat(eye, HD, axis=1)
    wbig = jnp.einsum('pq,jf->pjqf', eye, W_bond_w.T).reshape(D_OUT, 8 * D_OUT)

    out = _post_call(h_atoms, ga, ge.reshape(E * D_BOND), a2a, wbig, amat,
                     dmat, smat, rmat, W_bond_b.reshape(1, D_OUT))
    return out

# --- scband reference (transcript-rebuilt; emitter-appended) ---
"""Pipeline reference for scband-gatlayer-33517924778170 (READ-ONLY COPY).

The authoritative reference and input builder live on the scoring server;
editing this copy changes nothing except your own understanding.
"""

import jax, jax.numpy as jnp
import numpy as np

N = 10000
DEG = 32
D_IN = 128
D_OUT = 128
D_BOND = 16
H = 8
HD = D_OUT // H
E = N * DEG


def _xavier(key, shape):
    fan_in = shape[-1]
    fan_out = shape[0] if len(shape) > 1 else shape[-1]
    limit = float(np.sqrt(6.0 / (fan_in + fan_out)))
    return jax.random.uniform(key, shape, jnp.float32, -limit, limit)


def setup_inputs(seed: int = 0) -> dict:
    key = jax.random.key(seed)
    ks = jax.random.split(key, 12)
    x = jax.random.normal(ks[0], (N, D_IN), jnp.float32)
    edge_attr = jax.random.normal(ks[1], (E, D_BOND), jnp.float32)
    a2a = jax.random.randint(ks[2], (N, DEG), 0, N, jnp.int64 if jax.config.read('jax_enable_x64') else jnp.int32)
    a2b = jax.random.randint(ks[3], (N, DEG), 0, E, jnp.int64 if jax.config.read('jax_enable_x64') else jnp.int32)
    W_atom_w = _xavier(ks[4], (D_OUT, D_IN))
    W_atom_b = jnp.zeros((D_OUT,), jnp.float32)
    W_bond_w = _xavier(ks[5], (D_OUT, D_BOND))
    W_bond_b = jnp.zeros((D_OUT,), jnp.float32)
    att_src = _xavier(ks[6], (1, H, HD))
    att_dst = _xavier(ks[7], (1, H, HD))
    att_edge = _xavier(ks[8], (1, H, HD))
    return {
        'x': x, 'edge_attr': edge_attr, 'a2a': a2a, 'a2b': a2b,
        'W_atom_w': W_atom_w, 'W_atom_b': W_atom_b,
        'W_bond_w': W_bond_w, 'W_bond_b': W_bond_b,
        'att_src': att_src, 'att_dst': att_dst, 'att_edge': att_edge,
    }


def reference(x, edge_attr, a2a, a2b, W_atom_w, W_atom_b, W_bond_w, W_bond_b, att_src, att_dst, att_edge):
    num_atoms = x.shape[0]
    h_atoms = (x @ W_atom_w.T + W_atom_b).reshape(num_atoms, H, HD)
    h_bonds = edge_attr @ W_bond_w.T + W_bond_b
    # index_select_ND: gather along dim 0 with 2D index -> [N, DEG, H, HD]
    neigh_atoms = jnp.take(h_atoms, a2a, axis=0)
    h_bonds_reshaped = h_bonds.reshape(-1, H, HD)
    neigh_bonds = jnp.take(h_bonds_reshaped, a2b, axis=0)
    score_src = (h_atoms * att_src).sum(axis=-1)[:, None, :]        # [N, 1, H]
    score_dst = (neigh_atoms * att_dst).sum(axis=-1)                # [N, DEG, H]
    score_edge = (neigh_bonds * att_edge).sum(axis=-1)              # [N, DEG, H]
    scores = jax.nn.leaky_relu(score_src + score_dst + score_edge, negative_slope=0.2)
    mask = (a2a != 0)[:, :, None]                                   # [N, DEG, 1]
    scores = jnp.where(mask, scores, jnp.float32(-1e9))
    alpha = jax.nn.softmax(scores, axis=1)                          # dropout p=0 -> identity
    value = neigh_atoms + neigh_bonds                               # [N, DEG, H, HD]
    out = (alpha[..., None] * value).sum(axis=1)                    # [N, H, HD]
    return out.reshape(num_atoms, D_OUT)

if __name__ == "__main__":
    import jax
    _d = setup_inputs()
    print(jax.jit(kernel)(*tuple(_d.values())))

</pallas_src>

<mosaic_0001>
#map = affine_map<(d0, d1) -> (0)>
#map1 = affine_map<(d0, d1) -> (0, 0)>
module attributes {stable_mosaic.version = 14 : i64} {
  func.func @body(%arg0: i32, %arg1: i32, %arg2: memref<320000xi32, #tpu.memory_space<hbm>>, %arg3: memref<10000x128xf32, #tpu.memory_space<hbm>>, %arg4: memref<320000x128xf32, #tpu.memory_space<hbm>>, %arg5: memref<80xi32, #tpu.memory_space<vmem>>, %arg6: memref<80xi32, #tpu.memory_space<vmem>>, %arg7: memref<80xi32, #tpu.memory_space<vmem>>, %arg8: memref<80xi32, #tpu.memory_space<vmem>>, %arg9: memref<80x128xf32, #tpu.memory_space<vmem>>, %arg10: memref<80x128xf32, #tpu.memory_space<vmem>>, %arg11: memref<80x128xf32, #tpu.memory_space<vmem>>, %arg12: memref<80x128xf32, #tpu.memory_space<vmem>>, %arg13: memref<!tpu.dma_semaphore, #tpu.memory_space<semaphore_mem>>, %arg14: memref<!tpu.dma_semaphore, #tpu.memory_space<semaphore_mem>>, %arg15: memref<!tpu.dma_semaphore, #tpu.memory_space<semaphore_mem>>, %arg16: memref<!tpu.dma_semaphore, #tpu.memory_space<semaphore_mem>>, %arg17: memref<!tpu.dma_semaphore, #tpu.memory_space<semaphore_mem>>, %arg18: memref<!tpu.dma_semaphore, #tpu.memory_space<semaphore_mem>>, %arg19: memref<!tpu.dma_semaphore, #tpu.memory_space<semaphore_mem>>, %arg20: memref<!tpu.dma_semaphore, #tpu.memory_space<semaphore_mem>>) attributes {dimension_semantics = [#tpu.dimension_semantics<core_parallel>, #tpu.dimension_semantics<subcore_parallel>], iteration_bounds = array<i64: 2, 16>, scalar_prefetch = 0 : i64, scratch_operands = 16 : i64, tpu.core_type = #tpu.core_type<sc_vector_subcore>, window_params = [{transform_indices = #map}, {transform_indices = #map1}, {transform_indices = #map1}]} {
    %mul3A = arith.constant 2 : i32
    %mul3A_0 = arith.muli %arg1, %mul3A : i32
    %add3A = arith.addi %mul3A_0, %arg0 : i32
    %mul3A_1 = arith.constant 10000 : i32
    %mul3A_2 = arith.muli %add3A, %mul3A_1 : i32
    %add3A_3 = arith.constant 0 : i32
    %add3A_4 = arith.addi %mul3A_2, %add3A_3 : i32
    %multiple_of3A = tpu.assume_multiple %add3A_4, 8 : i32
    "tpu.region"() ({
      %run_scoped3A = tpu.sem_alloc : memref<!tpu.dma_semaphore, #tpu.memory_space<semaphore_mem>>
      %dma_start3A_30 = tpu.memref_slice %arg2[%multiple_of3A] : memref<320000xi32, #tpu.memory_space<hbm>> -> memref<80xi32, #tpu.memory_space<hbm>>
      %dma_start3A_31 = tpu.memref_slice %arg2[%multiple_of3A] : memref<320000xi32, #tpu.memory_space<hbm>> -> memref<80xi32, #tpu.memory_space<hbm>>
      tpu.enqueue_dma source(%dma_start3A_31 : memref<80xi32, #tpu.memory_space<hbm>>) target(%arg5 : memref<80xi32, #tpu.memory_space<vmem>>) target_semaphore(%run_scoped3A : memref<!tpu.dma_semaphore, #tpu.memory_space<semaphore_mem>>)
      %dma_wait3A = tpu.memref_slice %arg2[%multiple_of3A] : memref<320000xi32, #tpu.memory_space<hbm>> -> memref<80xi32, #tpu.memory_space<hbm>>
      %dma_wait3A_32 = tpu.memref_slice %arg2[%multiple_of3A] : memref<320000xi32, #tpu.memory_space<hbm>> -> memref<80xi32, #tpu.memory_space<hbm>>
      tpu.wait_dma2 semaphore(%run_scoped3A : memref<!tpu.dma_semaphore, #tpu.memory_space<semaphore_mem>>) src(%dma_wait3A_32 : memref<80xi32, #tpu.memory_space<hbm>>) dst(%arg5 : memref<80xi32, #tpu.memory_space<vmem>>)
      tpu.yield
    }) : () -> ()
    %dma_start3A = arith.constant 0 : i32
    %dma_start3A_5 = arith.constant 0 : i32
    %dma_start3A_6 = tpu.memref_slice %arg3[%dma_start3A, %dma_start3A_5] : memref<10000x128xf32, #tpu.memory_space<hbm>> -> memref<10000x128xf32, #tpu.memory_space<hbm>>
    tpu.enqueue_indirect_dma source(%dma_start3A_6 : memref<10000x128xf32, #tpu.memory_space<hbm>>) target(%arg9 : memref<80x128xf32, #tpu.memory_space<vmem>>) offsets(%arg5 : memref<80xi32, #tpu.memory_space<vmem>>) semaphore(%arg13 : memref<!tpu.dma_semaphore, #tpu.memory_space<semaphore_mem>>)
    %add3A_7 = arith.constant 80 : i32
    %add3A_8 = arith.addi %mul3A_2, %add3A_7 : i32
    %multiple_of3A_9 = tpu.assume_multiple %add3A_8, 8 : i32
    "tpu.region"() ({
      %run_scoped3A = tpu.sem_alloc : memref<!tpu.dma_semaphore, #tpu.memory_space<semaphore_mem>>
      %dma_start3A_30 = tpu.memref_slice %arg2[%multiple_of3A_9] : memref<320000xi32, #tpu.memory_space<hbm>> -> memref<80xi32, #tpu.memory_space<hbm>>
      %dma_start3A_31 = tpu.memref_slice %arg2[%multiple_of3A_9] : memref<320000xi32, #tpu.memory_space<hbm>> -> memref<80xi32, #tpu.memory_space<hbm>>
      tpu.enqueue_dma source(%dma_start3A_31 : memref<80xi32, #tpu.memory_space<hbm>>) target(%arg6 : memref<80xi32, #tpu.memory_space<vmem>>) target_semaphore(%run_scoped3A : memref<!tpu.dma_semaphore, #tpu.memory_space<semaphore_mem>>)
      %dma_wait3A = tpu.memref_slice %arg2[%multiple_of3A_9] : memref<320000xi32, #tpu.memory_space<hbm>> -> memref<80xi32, #tpu.memory_space<hbm>>
      %dma_wait3A_32 = tpu.memref_slice %arg2[%multiple_of3A_9] : memref<320000xi32, #tpu.memory_space<hbm>> -> memref<80xi32, #tpu.memory_space<hbm>>
      tpu.wait_dma2 semaphore(%run_scoped3A : memref<!tpu.dma_semaphore, #tpu.memory_space<semaphore_mem>>) src(%dma_wait3A_32 : memref<80xi32, #tpu.memory_space<hbm>>) dst(%arg6 : memref<80xi32, #tpu.memory_space<vmem>>)
      tpu.yield
    }) : () -> ()
    %dma_start3A_10 = arith.constant 0 : i32
    %dma_start3A_11 = arith.constant 0 : i32
    %dma_start3A_12 = tpu.memref_slice %arg3[%dma_start3A_10, %dma_start3A_11] : memref<10000x128xf32, #tpu.memory_space<hbm>> -> memref<10000x128xf32, #tpu.memory_space<hbm>>
    tpu.enqueue_indirect_dma source(%dma_start3A_12 : memref<10000x128xf32, #tpu.memory_space<hbm>>) target(%arg10 : memref<80x128xf32, #tpu.memory_space<vmem>>) offsets(%arg6 : memref<80xi32, #tpu.memory_space<vmem>>) semaphore(%arg14 : memref<!tpu.dma_semaphore, #tpu.memory_space<semaphore_mem>>)
    %add3A_13 = arith.constant 160 : i32
    %add3A_14 = arith.addi %mul3A_2, %add3A_13 : i32
    %multiple_of3A_15 = tpu.assume_multiple %add3A_14, 8 : i32
    "tpu.region"() ({
      %run_scoped3A = tpu.sem_alloc : memref<!tpu.dma_semaphore, #tpu.memory_space<semaphore_mem>>
      %dma_start3A_30 = tpu.memref_slice %arg2[%multiple_of3A_15] : memref<320000xi32, #tpu.memory_space<hbm>> -> memref<80xi32, #tpu.memory_space<hbm>>
      %dma_start3A_31 = tpu.memref_slice %arg2[%multiple_of3A_15] : memref<320000xi32, #tpu.memory_space<hbm>> -> memref<80xi32, #tpu.memory_space<hbm>>
      tpu.enqueue_dma source(%dma_start3A_31 : memref<80xi32, #tpu.memory_space<hbm>>) target(%arg7 : memref<80xi32, #tpu.memory_space<vmem>>) target_semaphore(%run_scoped3A : memref<!tpu.dma_semaphore, #tpu.memory_space<semaphore_mem>>)
      %dma_wait3A = tpu.memref_slice %arg2[%multiple_of3A_15] : memref<320000xi32, #tpu.memory_space<hbm>> -> memref<80xi32, #tpu.memory_space<hbm>>
      %dma_wait3A_32 = tpu.memref_slice %arg2[%multiple_of3A_15] : memref<320000xi32, #tpu.memory_space<hbm>> -> memref<80xi32, #tpu.memory_space<hbm>>
      tpu.wait_dma2 semaphore(%run_scoped3A : memref<!tpu.dma_semaphore, #tpu.memory_space<semaphore_mem>>) src(%dma_wait3A_32 : memref<80xi32, #tpu.memory_space<hbm>>) dst(%arg7 : memref<80xi32, #tpu.memory_space<vmem>>)
      tpu.yield
    }) : () -> ()
    %dma_start3A_16 = arith.constant 0 : i32
    %dma_start3A_17 = arith.constant 0 : i32
    %dma_start3A_18 = tpu.memref_slice %arg3[%dma_start3A_16, %dma_start3A_17] : memref<10000x128xf32, #tpu.memory_space<hbm>> -> memref<10000x128xf32, #tpu.memory_space<hbm>>
    tpu.enqueue_indirect_dma source(%dma_start3A_18 : memref<10000x128xf32, #tpu.memory_space<hbm>>) target(%arg11 : memref<80x128xf32, #tpu.memory_space<vmem>>) offsets(%arg7 : memref<80xi32, #tpu.memory_space<vmem>>) semaphore(%arg15 : memref<!tpu.dma_semaphore, #tpu.memory_space<semaphore_mem>>)
    %add3A_19 = arith.constant 240 : i32
    %add3A_20 = arith.addi %mul3A_2, %add3A_19 : i32
    %multiple_of3A_21 = tpu.assume_multiple %add3A_20, 8 : i32
    "tpu.region"() ({
      %run_scoped3A = tpu.sem_alloc : memref<!tpu.dma_semaphore, #tpu.memory_space<semaphore_mem>>
      %dma_start3A_30 = tpu.memref_slice %arg2[%multiple_of3A_21] : memref<320000xi32, #tpu.memory_space<hbm>> -> memref<80xi32, #tpu.memory_space<hbm>>
      %dma_start3A_31 = tpu.memref_slice %arg2[%multiple_of3A_21] : memref<320000xi32, #tpu.memory_space<hbm>> -> memref<80xi32, #tpu.memory_space<hbm>>
      tpu.enqueue_dma source(%dma_start3A_31 : memref<80xi32, #tpu.memory_space<hbm>>) target(%arg8 : memref<80xi32, #tpu.memory_space<vmem>>) target_semaphore(%run_scoped3A : memref<!tpu.dma_semaphore, #tpu.memory_space<semaphore_mem>>)
      %dma_wait3A = tpu.memref_slice %arg2[%multiple_of3A_21] : memref<320000xi32, #tpu.memory_space<hbm>> -> memref<80xi32, #tpu.memory_space<hbm>>
      %dma_wait3A_32 = tpu.memref_slice %arg2[%multiple_of3A_21] : memref<320000xi32, #tpu.memory_space<hbm>> -> memref<80xi32, #tpu.memory_space<hbm>>
      tpu.wait_dma2 semaphore(%run_scoped3A : memref<!tpu.dma_semaphore, #tpu.memory_space<semaphore_mem>>) src(%dma_wait3A_32 : memref<80xi32, #tpu.memory_space<hbm>>) dst(%arg8 : memref<80xi32, #tpu.memory_space<vmem>>)
      tpu.yield
    }) : () -> ()
    %dma_start3A_22 = arith.constant 0 : i32
    %dma_start3A_23 = arith.constant 0 : i32
    %dma_start3A_24 = tpu.memref_slice %arg3[%dma_start3A_22, %dma_start3A_23] : memref<10000x128xf32, #tpu.memory_space<hbm>> -> memref<10000x128xf32, #tpu.memory_space<hbm>>
    tpu.enqueue_indirect_dma source(%dma_start3A_24 : memref<10000x128xf32, #tpu.memory_space<hbm>>) target(%arg12 : memref<80x128xf32, #tpu.memory_space<vmem>>) offsets(%arg8 : memref<80xi32, #tpu.memory_space<vmem>>) semaphore(%arg16 : memref<!tpu.dma_semaphore, #tpu.memory_space<semaphore_mem>>)
    %scan3A = arith.constant 0 : i32
    %scan3A_25 = arith.constant 0 : i32
    %scan3A_26 = arith.constant 32 : i32
    %scan3A_27 = arith.addi %scan3A_25, %scan3A_26 : i32
    %scan3A_28 = arith.constant 1 : i32
    scf.for %scan3A_30 = %scan3A_25 to %scan3A_27 step %scan3A_28  : i32 {
      %mul3A_31 = arith.constant 4 : i32
      %mul3A_32 = arith.muli %scan3A_30, %mul3A_31 : i32
      %add3A_33 = arith.constant 0 : i32
      %add3A_34 = arith.addi %mul3A_32, %add3A_33 : i32
      %mul3A_35 = arith.constant 80 : i32
      %mul3A_36 = arith.muli %add3A_34, %mul3A_35 : i32
      %add3A_37 = arith.addi %mul3A_2, %mul3A_36 : i32
      %multiple_of3A_38 = tpu.assume_multiple %add3A_37, 8 : i32
      %lt3A = arith.constant 125 : i32
      %lt3A_39 = arith.cmpi slt, %add3A_34, %lt3A : i32
      %convert_element_type3A = arith.extui %lt3A_39 : i1 to i32
      %cond3A = arith.constant 0 : i32
      %cond3A_40 = arith.cmpi ne, %convert_element_type3A, %cond3A : i32
      scf.if %cond3A_40 {
        %dma_wait3A = arith.constant 0 : i32
        %dma_wait3A_80 = arith.constant 0 : i32
        %dma_wait3A_81 = tpu.memref_slice %arg3[%dma_wait3A, %dma_wait3A_80] : memref<10000x128xf32, #tpu.memory_space<hbm>> -> memref<10000x128xf32, #tpu.memory_space<hbm>>
        tpu.wait_indirect_dma semaphore(%arg13 : memref<!tpu.dma_semaphore, #tpu.memory_space<semaphore_mem>>) src(%dma_wait3A_81 : memref<10000x128xf32, #tpu.memory_space<hbm>>) dst(%arg9 : memref<80x128xf32, #tpu.memory_space<vmem>>)
        %dma_start3A_82 = arith.constant 0 : i32
        %dma_start3A_83 = tpu.memref_slice %arg4[%multiple_of3A_38, %dma_start3A_82] : memref<320000x128xf32, #tpu.memory_space<hbm>> -> memref<80x128xf32, #tpu.memory_space<hbm>>
        %dma_start3A_84 = arith.constant 0 : i32
        %dma_start3A_85 = tpu.memref_slice %arg4[%multiple_of3A_38, %dma_start3A_84] : memref<320000x128xf32, #tpu.memory_space<hbm>> -> memref<80x128xf32, #tpu.memory_space<hbm>>
        tpu.enqueue_dma source(%arg9 : memref<80x128xf32, #tpu.memory_space<vmem>>) target(%dma_start3A_85 : memref<80x128xf32, #tpu.memory_space<hbm>>) target_semaphore(%arg17 : memref<!tpu.dma_semaphore, #tpu.memory_space<semaphore_mem>>)
        %add3A_86 = arith.constant 4 : i32
        %add3A_87 = arith.addi %add3A_34, %add3A_86 : i32
        %lt3A_88 = arith.constant 125 : i32
        %lt3A_89 = arith.cmpi slt, %add3A_87, %lt3A_88 : i32
        %convert_element_type3A_90 = arith.extui %lt3A_89 : i1 to i32
        %cond3A_91 = arith.constant 0 : i32
        %cond3A_92 = arith.cmpi ne, %convert_element_type3A_90, %cond3A_91 : i32
        scf.if %cond3A_92 {
          %add3A_99 = arith.constant 4 : i32
          %add3A_100 = arith.addi %add3A_34, %add3A_99 : i32
          %mul3A_101 = arith.constant 80 : i32
          %mul3A_102 = arith.muli %add3A_100, %mul3A_101 : i32
          %add3A_103 = arith.addi %mul3A_2, %mul3A_102 : i32
          %multiple_of3A_104 = tpu.assume_multiple %add3A_103, 8 : i32
          "tpu.region"() ({
            %run_scoped3A = tpu.sem_alloc : memref<!tpu.dma_semaphore, #tpu.memory_space<semaphore_mem>>
            %dma_start3A_112 = tpu.memref_slice %arg2[%multiple_of3A_104] : memref<320000xi32, #tpu.memory_space<hbm>> -> memref<80xi32, #tpu.memory_space<hbm>>
            %dma_start3A_113 = tpu.memref_slice %arg2[%multiple_of3A_104] : memref<320000xi32, #tpu.memory_space<hbm>> -> memref<80xi32, #tpu.memory_space<hbm>>
            tpu.enqueue_dma source(%dma_start3A_113 : memref<80xi32, #tpu.memory_space<hbm>>) target(%arg5 : memref<80xi32, #tpu.memory_space<vmem>>) target_semaphore(%run_scoped3A : memref<!tpu.dma_semaphore, #tpu.memory_space<semaphore_mem>>)
            %dma_wait3A_114 = tpu.memref_slice %arg2[%multiple_of3A_104] : memref<320000xi32, #tpu.memory_space<hbm>> -> memref<80xi32, #tpu.memory_space<hbm>>
            %dma_wait3A_115 = tpu.memref_slice %arg2[%multiple_of3A_104] : memref<320000xi32, #tpu.memory_space<hbm>> -> memref<80xi32, #tpu.memory_space<hbm>>
            tpu.wait_dma2 semaphore(%run_scoped3A : memref<!tpu.dma_semaphore, #tpu.memory_space<semaphore_mem>>) src(%dma_wait3A_115 : memref<80xi32, #tpu.memory_space<hbm>>) dst(%arg5 : memref<80xi32, #tpu.memory_space<vmem>>)
            tpu.yield
          }) : () -> ()
          %dma_wait3A_105 = arith.constant 0 : i32
          %dma_wait3A_106 = tpu.memref_slice %arg4[%multiple_of3A_38, %dma_wait3A_105] : memref<320000x128xf32, #tpu.memory_space<hbm>> -> memref<80x128xf32, #tpu.memory_space<hbm>>
          %dma_wait3A_107 = arith.constant 0 : i32
          %dma_wait3A_108 = tpu.memref_slice %arg4[%multiple_of3A_38, %dma_wait3A_107] : memref<320000x128xf32, #tpu.memory_space<hbm>> -> memref<80x128xf32, #tpu.memory_space<hbm>>
          tpu.wait_dma2 semaphore(%arg17 : memref<!tpu.dma_semaphore, #tpu.memory_space<semaphore_mem>>) src(%arg9 : memref<80x128xf32, #tpu.memory_space<vmem>>) dst(%dma_wait3A_108 : memref<80x128xf32, #tpu.memory_space<hbm>>)
          %dma_start3A_109 = arith.constant 0 : i32
          %dma_start3A_110 = arith.constant 0 : i32
          %dma_start3A_111 = tpu.memref_slice %arg3[%dma_start3A_109, %dma_start3A_110] : memref<10000x128xf32, #tpu.memory_space<hbm>> -> memref<10000x128xf32, #tpu.memory_space<hbm>>
          tpu.enqueue_indirect_dma source(%dma_start3A_111 : memref<10000x128xf32, #tpu.memory_space<hbm>>) target(%arg9 : memref<80x128xf32, #tpu.memory_space<vmem>>) offsets(%arg5 : memref<80xi32, #tpu.memory_space<vmem>>) semaphore(%arg13 : memref<!tpu.dma_semaphore, #tpu.memory_space<semaphore_mem>>)
        } else {
        }
        %add3A_93 = arith.constant 4 : i32
        %add3A_94 = arith.addi %add3A_34, %add3A_93 : i32
        %ge3A = arith.constant 125 : i32
        %ge3A_95 = arith.cmpi sge, %add3A_94, %ge3A : i32
        %convert_element_type3A_96 = arith.extui %ge3A_95 : i1 to i32
        %cond3A_97 = arith.constant 0 : i32
        %cond3A_98 = arith.cmpi ne, %convert_element_type3A_96, %cond3A_97 : i32
        scf.if %cond3A_98 {
          %dma_wait3A_99 = arith.constant 0 : i32
          %dma_wait3A_100 = tpu.memref_slice %arg4[%multiple_of3A_38, %dma_wait3A_99] : memref<320000x128xf32, #tpu.memory_space<hbm>> -> memref<80x128xf32, #tpu.memory_space<hbm>>
          %dma_wait3A_101 = arith.constant 0 : i32
          %dma_wait3A_102 = tpu.memref_slice %arg4[%multiple_of3A_38, %dma_wait3A_101] : memref<320000x128xf32, #tpu.memory_space<hbm>> -> memref<80x128xf32, #tpu.memory_space<hbm>>
          tpu.wait_dma2 semaphore(%arg17 : memref<!tpu.dma_semaphore, #tpu.memory_space<semaphore_mem>>) src(%arg9 : memref<80x128xf32, #tpu.memory_space<vmem>>) dst(%dma_wait3A_102 : memref<80x128xf32, #tpu.memory_space<hbm>>)
        } else {
        }
      } else {
      }
      %mul3A_41 = arith.constant 4 : i32
      %mul3A_42 = arith.muli %scan3A_30, %mul3A_41 : i32
      %add3A_43 = arith.constant 1 : i32
      %add3A_44 = arith.addi %mul3A_42, %add3A_43 : i32
      %mul3A_45 = arith.constant 80 : i32
      %mul3A_46 = arith.muli %add3A_44, %mul3A_45 : i32
      %add3A_47 = arith.addi %mul3A_2, %mul3A_46 : i32
      %multiple_of3A_48 = tpu.assume_multiple %add3A_47, 8 : i32
      %lt3A_49 = arith.constant 125 : i32
      %lt3A_50 = arith.cmpi slt, %add3A_44, %lt3A_49 : i32
      %convert_element_type3A_51 = arith.extui %lt3A_50 : i1 to i32
      %cond3A_52 = arith.constant 0 : i32
      %cond3A_53 = arith.cmpi ne, %convert_element_type3A_51, %cond3A_52 : i32
      scf.if %cond3A_53 {
        %dma_wait3A = arith.constant 0 : i32
        %dma_wait3A_80 = arith.constant 0 : i32
        %dma_wait3A_81 = tpu.memref_slice %arg3[%dma_wait3A, %dma_wait3A_80] : memref<10000x128xf32, #tpu.memory_space<hbm>> -> memref<10000x128xf32, #tpu.memory_space<hbm>>
        tpu.wait_indirect_dma semaphore(%arg14 : memref<!tpu.dma_semaphore, #tpu.memory_space<semaphore_mem>>) src(%dma_wait3A_81 : memref<10000x128xf32, #tpu.memory_space<hbm>>) dst(%arg10 : memref<80x128xf32, #tpu.memory_space<vmem>>)
        %dma_start3A_82 = arith.constant 0 : i32
        %dma_start3A_83 = tpu.memref_slice %arg4[%multiple_of3A_48, %dma_start3A_82] : memref<320000x128xf32, #tpu.memory_space<hbm>> -> memref<80x128xf32, #tpu.memory_space<hbm>>
        %dma_start3A_84 = arith.constant 0 : i32
        %dma_start3A_85 = tpu.memref_slice %arg4[%multiple_of3A_48, %dma_start3A_84] : memref<320000x128xf32, #tpu.memory_space<hbm>> -> memref<80x128xf32, #tpu.memory_space<hbm>>
        tpu.enqueue_dma source(%arg10 : memref<80x128xf32, #tpu.memory_space<vmem>>) target(%dma_start3A_85 : memref<80x128xf32, #tpu.memory_space<hbm>>) target_semaphore(%arg18 : memref<!tpu.dma_semaphore, #tpu.memory_space<semaphore_mem>>)
        %add3A_86 = arith.constant 4 : i32
        %add3A_87 = arith.addi %add3A_44, %add3A_86 : i32
        %lt3A_88 = arith.constant 125 : i32
        %lt3A_89 = arith.cmpi slt, %add3A_87, %lt3A_88 : i32
        %convert_element_type3A_90 = arith.extui %lt3A_89 : i1 to i32
        %cond3A_91 = arith.constant 0 : i32
        %cond3A_92 = arith.cmpi ne, %convert_element_type3A_90, %cond3A_91 : i32
        scf.if %cond3A_92 {
          %add3A_99 = arith.constant 4 : i32
          %add3A_100 = arith.addi %add3A_44, %add3A_99 : i32
          %mul3A_101 = arith.constant 80 : i32
          %mul3A_102 = arith.muli %add3A_100, %mul3A_101 : i32
          %add3A_103 = arith.addi %mul3A_2, %mul3A_102 : i32
          %multiple_of3A_104 = tpu.assume_multiple %add3A_103, 8 : i32
          "tpu.region"() ({
            %run_scoped3A = tpu.sem_alloc : memref<!tpu.dma_semaphore, #tpu.memory_space<semaphore_mem>>
            %dma_start3A_112 = tpu.memref_slice %arg2[%multiple_of3A_104] : memref<320000xi32, #tpu.memory_space<hbm>> -> memref<80xi32, #tpu.memory_space<hbm>>
            %dma_start3A_113 = tpu.memref_slice %arg2[%multiple_of3A_104] : memref<320000xi32, #tpu.memory_space<hbm>> -> memref<80xi32, #tpu.memory_space<hbm>>
            tpu.enqueue_dma source(%dma_start3A_113 : memref<80xi32, #tpu.memory_space<hbm>>) target(%arg6 : memref<80xi32, #tpu.memory_space<vmem>>) target_semaphore(%run_scoped3A : memref<!tpu.dma_semaphore, #tpu.memory_space<semaphore_mem>>)
            %dma_wait3A_114 = tpu.memref_slice %arg2[%multiple_of3A_104] : memref<320000xi32, #tpu.memory_space<hbm>> -> memref<80xi32, #tpu.memory_space<hbm>>
            %dma_wait3A_115 = tpu.memref_slice %arg2[%multiple_of3A_104] : memref<320000xi32, #tpu.memory_space<hbm>> -> memref<80xi32, #tpu.memory_space<hbm>>
            tpu.wait_dma2 semaphore(%run_scoped3A : memref<!tpu.dma_semaphore, #tpu.memory_space<semaphore_mem>>) src(%dma_wait3A_115 : memref<80xi32, #tpu.memory_space<hbm>>) dst(%arg6 : memref<80xi32, #tpu.memory_space<vmem>>)
            tpu.yield
          }) : () -> ()
          %dma_wait3A_105 = arith.constant 0 : i32
          %dma_wait3A_106 = tpu.memref_slice %arg4[%multiple_of3A_48, %dma_wait3A_105] : memref<320000x128xf32, #tpu.memory_space<hbm>> -> memref<80x128xf32, #tpu.memory_space<hbm>>
          %dma_wait3A_107 = arith.constant 0 : i32
          %dma_wait3A_108 = tpu.memref_slice %arg4[%multiple_of3A_48, %dma_wait3A_107] : memref<320000x128xf32, #tpu.memory_space<hbm>> -> memref<80x128xf32, #tpu.memory_space<hbm>>
          tpu.wait_dma2 semaphore(%arg18 : memref<!tpu.dma_semaphore, #tpu.memory_space<semaphore_mem>>) src(%arg10 : memref<80x128xf32, #tpu.memory_space<vmem>>) dst(%dma_wait3A_108 : memref<80x128xf32, #tpu.memory_space<hbm>>)
          %dma_start3A_109 = arith.constant 0 : i32
          %dma_start3A_110 = arith.constant 0 : i32
          %dma_start3A_111 = tpu.memref_slice %arg3[%dma_start3A_109, %dma_start3A_110] : memref<10000x128xf32, #tpu.memory_space<hbm>> -> memref<10000x128xf32, #tpu.memory_space<hbm>>
          tpu.enqueue_indirect_dma source(%dma_start3A_111 : memref<10000x128xf32, #tpu.memory_space<hbm>>) target(%arg10 : memref<80x128xf32, #tpu.memory_space<vmem>>) offsets(%arg6 : memref<80xi32, #tpu.memory_space<vmem>>) semaphore(%arg14 : memref<!tpu.dma_semaphore, #tpu.memory_space<semaphore_mem>>)
        } else {
        }
        %add3A_93 = arith.constant 4 : i32
        %add3A_94 = arith.addi %add3A_44, %add3A_93 : i32
        %ge3A = arith.constant 125 : i32
        %ge3A_95 = arith.cmpi sge, %add3A_94, %ge3A : i32
        %convert_element_type3A_96 = arith.extui %ge3A_95 : i1 to i32
        %cond3A_97 = arith.constant 0 : i32
        %cond3A_98 = arith.cmpi ne, %convert_element_type3A_96, %cond3A_97 : i32
        scf.if %cond3A_98 {
          %dma_wait3A_99 = arith.constant 0 : i32
          %dma_wait3A_100 = tpu.memref_slice %arg4[%multiple_of3A_48, %dma_wait3A_99] : memref<320000x128xf32, #tpu.memory_space<hbm>> -> memref<80x128xf32, #tpu.memory_space<hbm>>
          %dma_wait3A_101 = arith.constant 0 : i32
          %dma_wait3A_102 = tpu.memref_slice %arg4[%multiple_of3A_48, %dma_wait3A_101] : memref<320000x128xf32, #tpu.memory_space<hbm>> -> memref<80x128xf32, #tpu.memory_space<hbm>>
          tpu.wait_dma2 semaphore(%arg18 : memref<!tpu.dma_semaphore, #tpu.memory_space<semaphore_mem>>) src(%arg10 : memref<80x128xf32, #tpu.memory_space<vmem>>) dst(%dma_wait3A_102 : memref<80x128xf32, #tpu.memory_space<hbm>>)
        } else {
        }
      } else {
      }
      %mul3A_54 = arith.constant 4 : i32
      %mul3A_55 = arith.muli %scan3A_30, %mul3A_54 : i32
      %add3A_56 = arith.constant 2 : i32
      %add3A_57 = arith.addi %mul3A_55, %add3A_56 : i32
      %mul3A_58 = arith.constant 80 : i32
      %mul3A_59 = arith.muli %add3A_57, %mul3A_58 : i32
      %add3A_60 = arith.addi %mul3A_2, %mul3A_59 : i32
      %multiple_of3A_61 = tpu.assume_multiple %add3A_60, 8 : i32
      %lt3A_62 = arith.constant 125 : i32
      %lt3A_63 = arith.cmpi slt, %add3A_57, %lt3A_62 : i32
      %convert_element_type3A_64 = arith.extui %lt3A_63 : i1 to i32
      %cond3A_65 = arith.constant 0 : i32
      %cond3A_66 = arith.cmpi ne, %convert_element_type3A_64, %cond3A_65 : i32
      scf.if %cond3A_66 {
        %dma_wait3A = arith.constant 0 : i32
        %dma_wait3A_80 = arith.constant 0 : i32
        %dma_wait3A_81 = tpu.memref_slice %arg3[%dma_wait3A, %dma_wait3A_80] : memref<10000x128xf32, #tpu.memory_space<hbm>> -> memref<10000x128xf32, #tpu.memory_space<hbm>>
        tpu.wait_indirect_dma semaphore(%arg15 : memref<!tpu.dma_semaphore, #tpu.memory_space<semaphore_mem>>) src(%dma_wait3A_81 : memref<10000x128xf32, #tpu.memory_space<hbm>>) dst(%arg11 : memref<80x128xf32, #tpu.memory_space<vmem>>)
        %dma_start3A_82 = arith.constant 0 : i32
        %dma_start3A_83 = tpu.memref_slice %arg4[%multiple_of3A_61, %dma_start3A_82] : memref<320000x128xf32, #tpu.memory_space<hbm>> -> memref<80x128xf32, #tpu.memory_space<hbm>>
        %dma_start3A_84 = arith.constant 0 : i32
        %dma_start3A_85 = tpu.memref_slice %arg4[%multiple_of3A_61, %dma_start3A_84] : memref<320000x128xf32, #tpu.memory_space<hbm>> -> memref<80x128xf32, #tpu.memory_space<hbm>>
        tpu.enqueue_dma source(%arg11 : memref<80x128xf32, #tpu.memory_space<vmem>>) target(%dma_start3A_85 : memref<80x128xf32, #tpu.memory_space<hbm>>) target_semaphore(%arg19 : memref<!tpu.dma_semaphore, #tpu.memory_space<semaphore_mem>>)
        %add3A_86 = arith.constant 4 : i32
        %add3A_87 = arith.addi %add3A_57, %add3A_86 : i32
        %lt3A_88 = arith.constant 125 : i32
        %lt3A_89 = arith.cmpi slt, %add3A_87, %lt3A_88 : i32
        %convert_element_type3A_90 = arith.extui %lt3A_89 : i1 to i32
        %cond3A_91 = arith.constant 0 : i32
        %cond3A_92 = arith.cmpi ne, %convert_element_type3A_90, %cond3A_91 : i32
        scf.if %cond3A_92 {
          %add3A_99 = arith.constant 4 : i32
          %add3A_100 = arith.addi %add3A_57, %add3A_99 : i32
          %mul3A_101 = arith.constant 80 : i32
          %mul3A_102 = arith.muli %add3A_100, %mul3A_101 : i32
          %add3A_103 = arith.addi %mul3A_2, %mul3A_102 : i32
          %multiple_of3A_104 = tpu.assume_multiple %add3A_103, 8 : i32
          "tpu.region"() ({
            %run_scoped3A = tpu.sem_alloc : memref<!tpu.dma_semaphore, #tpu.memory_space<semaphore_mem>>
            %dma_start3A_112 = tpu.memref_slice %arg2[%multiple_of3A_104] : memref<320000xi32, #tpu.memory_space<hbm>> -> memref<80xi32, #tpu.memory_space<hbm>>
            %dma_start3A_113 = tpu.memref_slice %arg2[%multiple_of3A_104] : memref<320000xi32, #tpu.memory_space<hbm>> -> memref<80xi32, #tpu.memory_space<hbm>>
            tpu.enqueue_dma source(%dma_start3A_113 : memref<80xi32, #tpu.memory_space<hbm>>) target(%arg7 : memref<80xi32, #tpu.memory_space<vmem>>) target_semaphore(%run_scoped3A : memref<!tpu.dma_semaphore, #tpu.memory_space<semaphore_mem>>)
            %dma_wait3A_114 = tpu.memref_slice %arg2[%multiple_of3A_104] : memref<320000xi32, #tpu.memory_space<hbm>> -> memref<80xi32, #tpu.memory_space<hbm>>
            %dma_wait3A_115 = tpu.memref_slice %arg2[%multiple_of3A_104] : memref<320000xi32, #tpu.memory_space<hbm>> -> memref<80xi32, #tpu.memory_space<hbm>>
            tpu.wait_dma2 semaphore(%run_scoped3A : memref<!tpu.dma_semaphore, #tpu.memory_space<semaphore_mem>>) src(%dma_wait3A_115 : memref<80xi32, #tpu.memory_space<hbm>>) dst(%arg7 : memref<80xi32, #tpu.memory_space<vmem>>)
            tpu.yield
          }) : () -> ()
          %dma_wait3A_105 = arith.constant 0 : i32
          %dma_wait3A_106 = tpu.memref_slice %arg4[%multiple_of3A_61, %dma_wait3A_105] : memref<320000x128xf32, #tpu.memory_space<hbm>> -> memref<80x128xf32, #tpu.memory_space<hbm>>
          %dma_wait3A_107 = arith.constant 0 : i32
          %dma_wait3A_108 = tpu.memref_slice %arg4[%multiple_of3A_61, %dma_wait3A_107] : memref<320000x128xf32, #tpu.memory_space<hbm>> -> memref<80x128xf32, #tpu.memory_space<hbm>>
          tpu.wait_dma2 semaphore(%arg19 : memref<!tpu.dma_semaphore, #tpu.memory_space<semaphore_mem>>) src(%arg11 : memref<80x128xf32, #tpu.memory_space<vmem>>) dst(%dma_wait3A_108 : memref<80x128xf32, #tpu.memory_space<hbm>>)
          %dma_start3A_109 = arith.constant 0 : i32
          %dma_start3A_110 = arith.constant 0 : i32
          %dma_start3A_111 = tpu.memref_slice %arg3[%dma_start3A_109, %dma_start3A_110] : memref<10000x128xf32, #tpu.memory_space<hbm>> -> memref<10000x128xf32, #tpu.memory_space<hbm>>
          tpu.enqueue_indirect_dma source(%dma_start3A_111 : memref<10000x128xf32, #tpu.memory_space<hbm>>) target(%arg11 : memref<80x128xf32, #tpu.memory_space<vmem>>) offsets(%arg7 : memref<80xi32, #tpu.memory_space<vmem>>) semaphore(%arg15 : memref<!tpu.dma_semaphore, #tpu.memory_space<semaphore_mem>>)
        } else {
        }
        %add3A_93 = arith.constant 4 : i32
        %add3A_94 = arith.addi %add3A_57, %add3A_93 : i32
        %ge3A = arith.constant 125 : i32
        %ge3A_95 = arith.cmpi sge, %add3A_94, %ge3A : i32
        %convert_element_type3A_96 = arith.extui %ge3A_95 : i1 to i32
        %cond3A_97 = arith.constant 0 : i32
        %cond3A_98 = arith.cmpi ne, %convert_element_type3A_96, %cond3A_97 : i32
        scf.if %cond3A_98 {
          %dma_wait3A_99 = arith.constant 0 : i32
          %dma_wait3A_100 = tpu.memref_slice %arg4[%multiple_of3A_61, %dma_wait3A_99] : memref<320000x128xf32, #tpu.memory_space<hbm>> -> memref<80x128xf32, #tpu.memory_space<hbm>>
          %dma_wait3A_101 = arith.constant 0 : i32
          %dma_wait3A_102 = tpu.memref_slice %arg4[%multiple_of3A_61, %dma_wait3A_101] : memref<320000x128xf32, #tpu.memory_space<hbm>> -> memref<80x128xf32, #tpu.memory_space<hbm>>
          tpu.wait_dma2 semaphore(%arg19 : memref<!tpu.dma_semaphore, #tpu.memory_space<semaphore_mem>>) src(%arg11 : memref<80x128xf32, #tpu.memory_space<vmem>>) dst(%dma_wait3A_102 : memref<80x128xf32, #tpu.memory_space<hbm>>)
        } else {
        }
      } else {
      }
      %mul3A_67 = arith.constant 4 : i32
      %mul3A_68 = arith.muli %scan3A_30, %mul3A_67 : i32
      %add3A_69 = arith.constant 3 : i32
      %add3A_70 = arith.addi %mul3A_68, %add3A_69 : i32
      %mul3A_71 = arith.constant 80 : i32
      %mul3A_72 = arith.muli %add3A_70, %mul3A_71 : i32
      %add3A_73 = arith.addi %mul3A_2, %mul3A_72 : i32
      %multiple_of3A_74 = tpu.assume_multiple %add3A_73, 8 : i32
      %lt3A_75 = arith.constant 125 : i32
      %lt3A_76 = arith.cmpi slt, %add3A_70, %lt3A_75 : i32
      %convert_element_type3A_77 = arith.extui %lt3A_76 : i1 to i32
      %cond3A_78 = arith.constant 0 : i32
      %cond3A_79 = arith.cmpi ne, %convert_element_type3A_77, %cond3A_78 : i32
      scf.if %cond3A_79 {
        %dma_wait3A = arith.constant 0 : i32
        %dma_wait3A_80 = arith.constant 0 : i32
        %dma_wait3A_81 = tpu.memref_slice %arg3[%dma_wait3A, %dma_wait3A_80] : memref<10000x128xf32, #tpu.memory_space<hbm>> -> memref<10000x128xf32, #tpu.memory_space<hbm>>
        tpu.wait_indirect_dma semaphore(%arg16 : memref<!tpu.dma_semaphore, #tpu.memory_space<semaphore_mem>>) src(%dma_wait3A_81 : memref<10000x128xf32, #tpu.memory_space<hbm>>) dst(%arg12 : memref<80x128xf32, #tpu.memory_space<vmem>>)
        %dma_start3A_82 = arith.constant 0 : i32
        %dma_start3A_83 = tpu.memref_slice %arg4[%multiple_of3A_74, %dma_start3A_82] : memref<320000x128xf32, #tpu.memory_space<hbm>> -> memref<80x128xf32, #tpu.memory_space<hbm>>
        %dma_start3A_84 = arith.constant 0 : i32
        %dma_start3A_85 = tpu.memref_slice %arg4[%multiple_of3A_74, %dma_start3A_84] : memref<320000x128xf32, #tpu.memory_space<hbm>> -> memref<80x128xf32, #tpu.memory_space<hbm>>
        tpu.enqueue_dma source(%arg12 : memref<80x128xf32, #tpu.memory_space<vmem>>) target(%dma_start3A_85 : memref<80x128xf32, #tpu.memory_space<hbm>>) target_semaphore(%arg20 : memref<!tpu.dma_semaphore, #tpu.memory_space<semaphore_mem>>)
        %add3A_86 = arith.constant 4 : i32
        %add3A_87 = arith.addi %add3A_70, %add3A_86 : i32
        %lt3A_88 = arith.constant 125 : i32
        %lt3A_89 = arith.cmpi slt, %add3A_87, %lt3A_88 : i32
        %convert_element_type3A_90 = arith.extui %lt3A_89 : i1 to i32
        %cond3A_91 = arith.constant 0 : i32
        %cond3A_92 = arith.cmpi ne, %convert_element_type3A_90, %cond3A_91 : i32
        scf.if %cond3A_92 {
          %add3A_99 = arith.constant 4 : i32
          %add3A_100 = arith.addi %add3A_70, %add3A_99 : i32
          %mul3A_101 = arith.constant 80 : i32
          %mul3A_102 = arith.muli %add3A_100, %mul3A_101 : i32
          %add3A_103 = arith.addi %mul3A_2, %mul3A_102 : i32
          %multiple_of3A_104 = tpu.assume_multiple %add3A_103, 8 : i32
          "tpu.region"() ({
            %run_scoped3A = tpu.sem_alloc : memref<!tpu.dma_semaphore, #tpu.memory_space<semaphore_mem>>
            %dma_start3A_112 = tpu.memref_slice %arg2[%multiple_of3A_104] : memref<320000xi32, #tpu.memory_space<hbm>> -> memref<80xi32, #tpu.memory_space<hbm>>
            %dma_start3A_113 = tpu.memref_slice %arg2[%multiple_of3A_104] : memref<320000xi32, #tpu.memory_space<hbm>> -> memref<80xi32, #tpu.memory_space<hbm>>
            tpu.enqueue_dma source(%dma_start3A_113 : memref<80xi32, #tpu.memory_space<hbm>>) target(%arg8 : memref<80xi32, #tpu.memory_space<vmem>>) target_semaphore(%run_scoped3A : memref<!tpu.dma_semaphore, #tpu.memory_space<semaphore_mem>>)
            %dma_wait3A_114 = tpu.memref_slice %arg2[%multiple_of3A_104] : memref<320000xi32, #tpu.memory_space<hbm>> -> memref<80xi32, #tpu.memory_space<hbm>>
            %dma_wait3A_115 = tpu.memref_slice %arg2[%multiple_of3A_104] : memref<320000xi32, #tpu.memory_space<hbm>> -> memref<80xi32, #tpu.memory_space<hbm>>
            tpu.wait_dma2 semaphore(%run_scoped3A : memref<!tpu.dma_semaphore, #tpu.memory_space<semaphore_mem>>) src(%dma_wait3A_115 : memref<80xi32, #tpu.memory_space<hbm>>) dst(%arg8 : memref<80xi32, #tpu.memory_space<vmem>>)
            tpu.yield
          }) : () -> ()
          %dma_wait3A_105 = arith.constant 0 : i32
          %dma_wait3A_106 = tpu.memref_slice %arg4[%multiple_of3A_74, %dma_wait3A_105] : memref<320000x128xf32, #tpu.memory_space<hbm>> -> memref<80x128xf32, #tpu.memory_space<hbm>>
          %dma_wait3A_107 = arith.constant 0 : i32
          %dma_wait3A_108 = tpu.memref_slice %arg4[%multiple_of3A_74, %dma_wait3A_107] : memref<320000x128xf32, #tpu.memory_space<hbm>> -> memref<80x128xf32, #tpu.memory_space<hbm>>
          tpu.wait_dma2 semaphore(%arg20 : memref<!tpu.dma_semaphore, #tpu.memory_space<semaphore_mem>>) src(%arg12 : memref<80x128xf32, #tpu.memory_space<vmem>>) dst(%dma_wait3A_108 : memref<80x128xf32, #tpu.memory_space<hbm>>)
          %dma_start3A_109 = arith.constant 0 : i32
          %dma_start3A_110 = arith.constant 0 : i32
          %dma_start3A_111 = tpu.memref_slice %arg3[%dma_start3A_109, %dma_start3A_110] : memref<10000x128xf32, #tpu.memory_space<hbm>> -> memref<10000x128xf32, #tpu.memory_space<hbm>>
          tpu.enqueue_indirect_dma source(%dma_start3A_111 : memref<10000x128xf32, #tpu.memory_space<hbm>>) target(%arg12 : memref<80x128xf32, #tpu.memory_space<vmem>>) offsets(%arg8 : memref<80xi32, #tpu.memory_space<vmem>>) semaphore(%arg16 : memref<!tpu.dma_semaphore, #tpu.memory_space<semaphore_mem>>)
        } else {
        }
        %add3A_93 = arith.constant 4 : i32
        %add3A_94 = arith.addi %add3A_70, %add3A_93 : i32
        %ge3A = arith.constant 125 : i32
        %ge3A_95 = arith.cmpi sge, %add3A_94, %ge3A : i32
        %convert_element_type3A_96 = arith.extui %ge3A_95 : i1 to i32
        %cond3A_97 = arith.constant 0 : i32
        %cond3A_98 = arith.cmpi ne, %convert_element_type3A_96, %cond3A_97 : i32
        scf.if %cond3A_98 {
          %dma_wait3A_99 = arith.constant 0 : i32
          %dma_wait3A_100 = tpu.memref_slice %arg4[%multiple_of3A_74, %dma_wait3A_99] : memref<320000x128xf32, #tpu.memory_space<hbm>> -> memref<80x128xf32, #tpu.memory_space<hbm>>
          %dma_wait3A_101 = arith.constant 0 : i32
          %dma_wait3A_102 = tpu.memref_slice %arg4[%multiple_of3A_74, %dma_wait3A_101] : memref<320000x128xf32, #tpu.memory_space<hbm>> -> memref<80x128xf32, #tpu.memory_space<hbm>>
          tpu.wait_dma2 semaphore(%arg20 : memref<!tpu.dma_semaphore, #tpu.memory_space<semaphore_mem>>) src(%arg12 : memref<80x128xf32, #tpu.memory_space<vmem>>) dst(%dma_wait3A_102 : memref<80x128xf32, #tpu.memory_space<hbm>>)
        } else {
        }
      } else {
      }
    }
    %scan3A_29 = arith.constant 32 : i32
    return
  }
}

#map = affine_map<(d0, d1) -> (0)>
#map1 = affine_map<(d0, d1) -> (0, 0)>
module attributes {stable_mosaic.version = 14 : i64} {
  func.func @body(%arg0: i32, %arg1: i32, %arg2: memref<320000xi32, #tpu.memory_space<hbm>>, %arg3: memref<320000x16xf32, #tpu.memory_space<hbm>>, %arg4: memref<320000x16xf32, #tpu.memory_space<hbm>>, %arg5: memref<80xi32, #tpu.memory_space<vmem>>, %arg6: memref<80xi32, #tpu.memory_space<vmem>>, %arg7: memref<80xi32, #tpu.memory_space<vmem>>, %arg8: memref<80xi32, #tpu.memory_space<vmem>>, %arg9: memref<80x16xf32, #tpu.memory_space<vmem>>, %arg10: memref<80x16xf32, #tpu.memory_space<vmem>>, %arg11: memref<80x16xf32, #tpu.memory_space<vmem>>, %arg12: memref<80x16xf32, #tpu.memory_space<vmem>>, %arg13: memref<!tpu.dma_semaphore, #tpu.memory_space<semaphore_mem>>, %arg14: memref<!tpu.dma_semaphore, #tpu.memory_space<semaphore_mem>>, %arg15: memref<!tpu.dma_semaphore, #tpu.memory_space<semaphore_mem>>, %arg16: memref<!tpu.dma_semaphore, #tpu.memory_space<semaphore_mem>>, %arg17: memref<!tpu.dma_semaphore, #tpu.memory_space<semaphore_mem>>, %arg18: memref<!tpu.dma_semaphore, #tpu.memory_space<semaphore_mem>>, %arg19: memref<!tpu.dma_semaphore, #tpu.memory_space<semaphore_mem>>, %arg20: memref<!tpu.dma_semaphore, #tpu.memory_space<semaphore_mem>>) attributes {dimension_semantics = [#tpu.dimension_semantics<core_parallel>, #tpu.dimension_semantics<subcore_parallel>], iteration_bounds = array<i64: 2, 16>, scalar_prefetch = 0 : i64, scratch_operands = 16 : i64, tpu.core_type = #tpu.core_type<sc_vector_subcore>, window_params = [{transform_indices = #map}, {transform_indices = #map1}, {transform_indices = #map1}]} {
    %mul3A = arith.constant 2 : i32
    %mul3A_0 = arith.muli %arg1, %mul3A : i32
    %add3A = arith.addi %mul3A_0, %arg0 : i32
    %mul3A_1 = arith.constant 10000 : i32
    %mul3A_2 = arith.muli %add3A, %mul3A_1 : i32
    %add3A_3 = arith.constant 0 : i32
    %add3A_4 = arith.addi %mul3A_2, %add3A_3 : i32
    %multiple_of3A = tpu.assume_multiple %add3A_4, 8 : i32
    "tpu.region"() ({
      %run_scoped3A = tpu.sem_alloc : memref<!tpu.dma_semaphore, #tpu.memory_space<semaphore_mem>>
      %dma_start3A_30 = tpu.memref_slice %arg2[%multiple_of3A] : memref<320000xi32, #tpu.memory_space<hbm>> -> memref<80xi32, #tpu.memory_space<hbm>>
      %dma_start3A_31 = tpu.memref_slice %arg2[%multiple_of3A] : memref<320000xi32, #tpu.memory_space<hbm>> -> memref<80xi32, #tpu.memory_space<hbm>>
      tpu.enqueue_dma source(%dma_start3A_31 : memref<80xi32, #tpu.memory_space<hbm>>) target(%arg5 : memref<80xi32, #tpu.memory_space<vmem>>) target_semaphore(%run_scoped3A : memref<!tpu.dma_semaphore, #tpu.memory_space<semaphore_mem>>)
      %dma_wait3A = tpu.memref_slice %arg2[%multiple_of3A] : memref<320000xi32, #tpu.memory_space<hbm>> -> memref<80xi32, #tpu.memory_space<hbm>>
      %dma_wait3A_32 = tpu.memref_slice %arg2[%multiple_of3A] : memref<320000xi32, #tpu.memory_space<hbm>> -> memref<80xi32, #tpu.memory_space<hbm>>
      tpu.wait_dma2 semaphore(%run_scoped3A : memref<!tpu.dma_semaphore, #tpu.memory_space<semaphore_mem>>) src(%dma_wait3A_32 : memref<80xi32, #tpu.memory_space<hbm>>) dst(%arg5 : memref<80xi32, #tpu.memory_space<vmem>>)
      tpu.yield
    }) : () -> ()
    %dma_start3A = arith.constant 0 : i32
    %dma_start3A_5 = arith.constant 0 : i32
    %dma_start3A_6 = tpu.memref_slice %arg3[%dma_start3A, %dma_start3A_5] : memref<320000x16xf32, #tpu.memory_space<hbm>> -> memref<320000x16xf32, #tpu.memory_space<hbm>>
    tpu.enqueue_indirect_dma source(%dma_start3A_6 : memref<320000x16xf32, #tpu.memory_space<hbm>>) target(%arg9 : memref<80x16xf32, #tpu.memory_space<vmem>>) offsets(%arg5 : memref<80xi32, #tpu.memory_space<vmem>>) semaphore(%arg13 : memref<!tpu.dma_semaphore, #tpu.memory_space<semaphore_mem>>)
    %add3A_7 = arith.constant 80 : i32
    %add3A_8 = arith.addi %mul3A_2, %add3A_7 : i32
    %multiple_of3A_9 = tpu.assume_multiple %add3A_8, 8 : i32
    "tpu.region"() ({
      %run_scoped3A = tpu.sem_alloc : memref<!tpu.dma_semaphore, #tpu.memory_space<semaphore_mem>>
      %dma_start3A_30 = tpu.memref_slice %arg2[%multiple_of3A_9] : memref<320000xi32, #tpu.memory_space<hbm>> -> memref<80xi32, #tpu.memory_space<hbm>>
      %dma_start3A_31 = tpu.memref_slice %arg2[%multiple_of3A_9] : memref<320000xi32, #tpu.memory_space<hbm>> -> memref<80xi32, #tpu.memory_space<hbm>>
      tpu.enqueue_dma source(%dma_start3A_31 : memref<80xi32, #tpu.memory_space<hbm>>) target(%arg6 : memref<80xi32, #tpu.memory_space<vmem>>) target_semaphore(%run_scoped3A : memref<!tpu.dma_semaphore, #tpu.memory_space<semaphore_mem>>)
      %dma_wait3A = tpu.memref_slice %arg2[%multiple_of3A_9] : memref<320000xi32, #tpu.memory_space<hbm>> -> memref<80xi32, #tpu.memory_space<hbm>>
      %dma_wait3A_32 = tpu.memref_slice %arg2[%multiple_of3A_9] : memref<320000xi32, #tpu.memory_space<hbm>> -> memref<80xi32, #tpu.memory_space<hbm>>
      tpu.wait_dma2 semaphore(%run_scoped3A : memref<!tpu.dma_semaphore, #tpu.memory_space<semaphore_mem>>) src(%dma_wait3A_32 : memref<80xi32, #tpu.memory_space<hbm>>) dst(%arg6 : memref<80xi32, #tpu.memory_space<vmem>>)
      tpu.yield
    }) : () -> ()
    %dma_start3A_10 = arith.constant 0 : i32
    %dma_start3A_11 = arith.constant 0 : i32
    %dma_start3A_12 = tpu.memref_slice %arg3[%dma_start3A_10, %dma_start3A_11] : memref<320000x16xf32, #tpu.memory_space<hbm>> -> memref<320000x16xf32, #tpu.memory_space<hbm>>
    tpu.enqueue_indirect_dma source(%dma_start3A_12 : memref<320000x16xf32, #tpu.memory_space<hbm>>) target(%arg10 : memref<80x16xf32, #tpu.memory_space<vmem>>) offsets(%arg6 : memref<80xi32, #tpu.memory_space<vmem>>) semaphore(%arg14 : memref<!tpu.dma_semaphore, #tpu.memory_space<semaphore_mem>>)
    %add3A_13 = arith.constant 160 : i32
    %add3A_14 = arith.addi %mul3A_2, %add3A_13 : i32
    %multiple_of3A_15 = tpu.assume_multiple %add3A_14, 8 : i32
    "tpu.region"() ({
      %run_scoped3A = tpu.sem_alloc : memref<!tpu.dma_semaphore, #tpu.memory_space<semaphore_mem>>
      %dma_start3A_30 = tpu.memref_slice %arg2[%multiple_of3A_15] : memref<320000xi32, #tpu.memory_space<hbm>> -> memref<80xi32, #tpu.memory_space<hbm>>
      %dma_start3A_31 = tpu.memref_slice %arg2[%multiple_of3A_15] : memref<320000xi32, #tpu.memory_space<hbm>> -> memref<80xi32, #tpu.memory_space<hbm>>
      tpu.enqueue_dma source(%dma_start3A_31 : memref<80xi32, #tpu.memory_space<hbm>>) target(%arg7 : memref<80xi32, #tpu.memory_space<vmem>>) target_semaphore(%run_scoped3A : memref<!tpu.dma_semaphore, #tpu.memory_space<semaphore_mem>>)
      %dma_wait3A = tpu.memref_slice %arg2[%multiple_of3A_15] : memref<320000xi32, #tpu.memory_space<hbm>> -> memref<80xi32, #tpu.memory_space<hbm>>
      %dma_wait3A_32 = tpu.memref_slice %arg2[%multiple_of3A_15] : memref<320000xi32, #tpu.memory_space<hbm>> -> memref<80xi32, #tpu.memory_space<hbm>>
      tpu.wait_dma2 semaphore(%run_scoped3A : memref<!tpu.dma_semaphore, #tpu.memory_space<semaphore_mem>>) src(%dma_wait3A_32 : memref<80xi32, #tpu.memory_space<hbm>>) dst(%arg7 : memref<80xi32, #tpu.memory_space<vmem>>)
      tpu.yield
    }) : () -> ()
    %dma_start3A_16 = arith.constant 0 : i32
    %dma_start3A_17 = arith.constant 0 : i32
    %dma_start3A_18 = tpu.memref_slice %arg3[%dma_start3A_16, %dma_start3A_17] : memref<320000x16xf32, #tpu.memory_space<hbm>> -> memref<320000x16xf32, #tpu.memory_space<hbm>>
    tpu.enqueue_indirect_dma source(%dma_start3A_18 : memref<320000x16xf32, #tpu.memory_space<hbm>>) target(%arg11 : memref<80x16xf32, #tpu.memory_space<vmem>>) offsets(%arg7 : memref<80xi32, #tpu.memory_space<vmem>>) semaphore(%arg15 : memref<!tpu.dma_semaphore, #tpu.memory_space<semaphore_mem>>)
    %add3A_19 = arith.constant 240 : i32
    %add3A_20 = arith.addi %mul3A_2, %add3A_19 : i32
    %multiple_of3A_21 = tpu.assume_multiple %add3A_20, 8 : i32
    "tpu.region"() ({
      %run_scoped3A = tpu.sem_alloc : memref<!tpu.dma_semaphore, #tpu.memory_space<semaphore_mem>>
      %dma_start3A_30 = tpu.memref_slice %arg2[%multiple_of3A_21] : memref<320000xi32, #tpu.memory_space<hbm>> -> memref<80xi32, #tpu.memory_space<hbm>>
      %dma_start3A_31 = tpu.memref_slice %arg2[%multiple_of3A_21] : memref<320000xi32, #tpu.memory_space<hbm>> -> memref<80xi32, #tpu.memory_space<hbm>>
      tpu.enqueue_dma source(%dma_start3A_31 : memref<80xi32, #tpu.memory_space<hbm>>) target(%arg8 : memref<80xi32, #tpu.memory_space<vmem>>) target_semaphore(%run_scoped3A : memref<!tpu.dma_semaphore, #tpu.memory_space<semaphore_mem>>)
      %dma_wait3A = tpu.memref_slice %arg2[%multiple_of3A_21] : memref<320000xi32, #tpu.memory_space<hbm>> -> memref<80xi32, #tpu.memory_space<hbm>>
      %dma_wait3A_32 = tpu.memref_slice %arg2[%multiple_of3A_21] : memref<320000xi32, #tpu.memory_space<hbm>> -> memref<80xi32, #tpu.memory_space<hbm>>
      tpu.wait_dma2 semaphore(%run_scoped3A : memref<!tpu.dma_semaphore, #tpu.memory_space<semaphore_mem>>) src(%dma_wait3A_32 : memref<80xi32, #tpu.memory_space<hbm>>) dst(%arg8 : memref<80xi32, #tpu.memory_space<vmem>>)
      tpu.yield
    }) : () -> ()
    %dma_start3A_22 = arith.constant 0 : i32
    %dma_start3A_23 = arith.constant 0 : i32
    %dma_start3A_24 = tpu.memref_slice %arg3[%dma_start3A_22, %dma_start3A_23] : memref<320000x16xf32, #tpu.memory_space<hbm>> -> memref<320000x16xf32, #tpu.memory_space<hbm>>
    tpu.enqueue_indirect_dma source(%dma_start3A_24 : memref<320000x16xf32, #tpu.memory_space<hbm>>) target(%arg12 : memref<80x16xf32, #tpu.memory_space<vmem>>) offsets(%arg8 : memref<80xi32, #tpu.memory_space<vmem>>) semaphore(%arg16 : memref<!tpu.dma_semaphore, #tpu.memory_space<semaphore_mem>>)
    %scan3A = arith.constant 0 : i32
    %scan3A_25 = arith.constant 0 : i32
    %scan3A_26 = arith.constant 32 : i32
    %scan3A_27 = arith.addi %scan3A_25, %scan3A_26 : i32
    %scan3A_28 = arith.constant 1 : i32
    scf.for %scan3A_30 = %scan3A_25 to %scan3A_27 step %scan3A_28  : i32 {
      %mul3A_31 = arith.constant 4 : i32
      %mul3A_32 = arith.muli %scan3A_30, %mul3A_31 : i32
      %add3A_33 = arith.constant 0 : i32
      %add3A_34 = arith.addi %mul3A_32, %add3A_33 : i32
      %mul3A_35 = arith.constant 80 : i32
      %mul3A_36 = arith.muli %add3A_34, %mul3A_35 : i32
      %add3A_37 = arith.addi %mul3A_2, %mul3A_36 : i32
      %multiple_of3A_38 = tpu.assume_multiple %add3A_37, 8 : i32
      %lt3A = arith.constant 125 : i32
      %lt3A_39 = arith.cmpi slt, %add3A_34, %lt3A : i32
      %convert_element_type3A = arith.extui %lt3A_39 : i1 to i32
      %cond3A = arith.constant 0 : i32
      %cond3A_40 = arith.cmpi ne, %convert_element_type3A, %cond3A : i32
      scf.if %cond3A_40 {
        %dma_wait3A = arith.constant 0 : i32
        %dma_wait3A_80 = arith.constant 0 : i32
        %dma_wait3A_81 = tpu.memref_slice %arg3[%dma_wait3A, %dma_wait3A_80] : memref<320000x16xf32, #tpu.memory_space<hbm>> -> memref<320000x16xf32, #tpu.memory_space<hbm>>
        tpu.wait_indirect_dma semaphore(%arg13 : memref<!tpu.dma_semaphore, #tpu.memory_space<semaphore_mem>>) src(%dma_wait3A_81 : memref<320000x16xf32, #tpu.memory_space<hbm>>) dst(%arg9 : memref<80x16xf32, #tpu.memory_space<vmem>>)
        %dma_start3A_82 = arith.constant 0 : i32
        %dma_start3A_83 = tpu.memref_slice %arg4[%multiple_of3A_38, %dma_start3A_82] : memref<320000x16xf32, #tpu.memory_space<hbm>> -> memref<80x16xf32, #tpu.memory_space<hbm>>
        %dma_start3A_84 = arith.constant 0 : i32
        %dma_start3A_85 = tpu.memref_slice %arg4[%multiple_of3A_38, %dma_start3A_84] : memref<320000x16xf32, #tpu.memory_space<hbm>> -> memref<80x16xf32, #tpu.memory_space<hbm>>
        tpu.enqueue_dma source(%arg9 : memref<80x16xf32, #tpu.memory_space<vmem>>) target(%dma_start3A_85 : memref<80x16xf32, #tpu.memory_space<hbm>>) target_semaphore(%arg17 : memref<!tpu.dma_semaphore, #tpu.memory_space<semaphore_mem>>)
        %add3A_86 = arith.constant 4 : i32
        %add3A_87 = arith.addi %add3A_34, %add3A_86 : i32
        %lt3A_88 = arith.constant 125 : i32
        %lt3A_89 = arith.cmpi slt, %add3A_87, %lt3A_88 : i32
        %convert_element_type3A_90 = arith.extui %lt3A_89 : i1 to i32
        %cond3A_91 = arith.constant 0 : i32
        %cond3A_92 = arith.cmpi ne, %convert_element_type3A_90, %cond3A_91 : i32
        scf.if %cond3A_92 {
          %add3A_99 = arith.constant 4 : i32
          %add3A_100 = arith.addi %add3A_34, %add3A_99 : i32
          %mul3A_101 = arith.constant 80 : i32
          %mul3A_102 = arith.muli %add3A_100, %mul3A_101 : i32
          %add3A_103 = arith.addi %mul3A_2, %mul3A_102 : i32
          %multiple_of3A_104 = tpu.assume_multiple %add3A_103, 8 : i32
          "tpu.region"() ({
            %run_scoped3A = tpu.sem_alloc : memref<!tpu.dma_semaphore, #tpu.memory_space<semaphore_mem>>
            %dma_start3A_112 = tpu.memref_slice %arg2[%multiple_of3A_104] : memref<320000xi32, #tpu.memory_space<hbm>> -> memref<80xi32, #tpu.memory_space<hbm>>
            %dma_start3A_113 = tpu.memref_slice %arg2[%multiple_of3A_104] : memref<320000xi32, #tpu.memory_space<hbm>> -> memref<80xi32, #tpu.memory_space<hbm>>
            tpu.enqueue_dma source(%dma_start3A_113 : memref<80xi32, #tpu.memory_space<hbm>>) target(%arg5 : memref<80xi32, #tpu.memory_space<vmem>>) target_semaphore(%run_scoped3A : memref<!tpu.dma_semaphore, #tpu.memory_space<semaphore_mem>>)
            %dma_wait3A_114 = tpu.memref_slice %arg2[%multiple_of3A_104] : memref<320000xi32, #tpu.memory_space<hbm>> -> memref<80xi32, #tpu.memory_space<hbm>>
            %dma_wait3A_115 = tpu.memref_slice %arg2[%multiple_of3A_104] : memref<320000xi32, #tpu.memory_space<hbm>> -> memref<80xi32, #tpu.memory_space<hbm>>
            tpu.wait_dma2 semaphore(%run_scoped3A : memref<!tpu.dma_semaphore, #tpu.memory_space<semaphore_mem>>) src(%dma_wait3A_115 : memref<80xi32, #tpu.memory_space<hbm>>) dst(%arg5 : memref<80xi32, #tpu.memory_space<vmem>>)
            tpu.yield
          }) : () -> ()
          %dma_wait3A_105 = arith.constant 0 : i32
          %dma_wait3A_106 = tpu.memref_slice %arg4[%multiple_of3A_38, %dma_wait3A_105] : memref<320000x16xf32, #tpu.memory_space<hbm>> -> memref<80x16xf32, #tpu.memory_space<hbm>>
          %dma_wait3A_107 = arith.constant 0 : i32
          %dma_wait3A_108 = tpu.memref_slice %arg4[%multiple_of3A_38, %dma_wait3A_107] : memref<320000x16xf32, #tpu.memory_space<hbm>> -> memref<80x16xf32, #tpu.memory_space<hbm>>
          tpu.wait_dma2 semaphore(%arg17 : memref<!tpu.dma_semaphore, #tpu.memory_space<semaphore_mem>>) src(%arg9 : memref<80x16xf32, #tpu.memory_space<vmem>>) dst(%dma_wait3A_108 : memref<80x16xf32, #tpu.memory_space<hbm>>)
          %dma_start3A_109 = arith.constant 0 : i32
          %dma_start3A_110 = arith.constant 0 : i32
          %dma_start3A_111 = tpu.memref_slice %arg3[%dma_start3A_109, %dma_start3A_110] : memref<320000x16xf32, #tpu.memory_space<hbm>> -> memref<320000x16xf32, #tpu.memory_space<hbm>>
          tpu.enqueue_indirect_dma source(%dma_start3A_111 : memref<320000x16xf32, #tpu.memory_space<hbm>>) target(%arg9 : memref<80x16xf32, #tpu.memory_space<vmem>>) offsets(%arg5 : memref<80xi32, #tpu.memory_space<vmem>>) semaphore(%arg13 : memref<!tpu.dma_semaphore, #tpu.memory_space<semaphore_mem>>)
        } else {
        }
        %add3A_93 = arith.constant 4 : i32
        %add3A_94 = arith.addi %add3A_34, %add3A_93 : i32
        %ge3A = arith.constant 125 : i32
        %ge3A_95 = arith.cmpi sge, %add3A_94, %ge3A : i32
        %convert_element_type3A_96 = arith.extui %ge3A_95 : i1 to i32
        %cond3A_97 = arith.constant 0 : i32
        %cond3A_98 = arith.cmpi ne, %convert_element_type3A_96, %cond3A_97 : i32
        scf.if %cond3A_98 {
          %dma_wait3A_99 = arith.constant 0 : i32
          %dma_wait3A_100 = tpu.memref_slice %arg4[%multiple_of3A_38, %dma_wait3A_99] : memref<320000x16xf32, #tpu.memory_space<hbm>> -> memref<80x16xf32, #tpu.memory_space<hbm>>
          %dma_wait3A_101 = arith.constant 0 : i32
          %dma_wait3A_102 = tpu.memref_slice %arg4[%multiple_of3A_38, %dma_wait3A_101] : memref<320000x16xf32, #tpu.memory_space<hbm>> -> memref<80x16xf32, #tpu.memory_space<hbm>>
          tpu.wait_dma2 semaphore(%arg17 : memref<!tpu.dma_semaphore, #tpu.memory_space<semaphore_mem>>) src(%arg9 : memref<80x16xf32, #tpu.memory_space<vmem>>) dst(%dma_wait3A_102 : memref<80x16xf32, #tpu.memory_space<hbm>>)
        } else {
        }
      } else {
      }
      %mul3A_41 = arith.constant 4 : i32
      %mul3A_42 = arith.muli %scan3A_30, %mul3A_41 : i32
      %add3A_43 = arith.constant 1 : i32
      %add3A_44 = arith.addi %mul3A_42, %add3A_43 : i32
      %mul3A_45 = arith.constant 80 : i32
      %mul3A_46 = arith.muli %add3A_44, %mul3A_45 : i32
      %add3A_47 = arith.addi %mul3A_2, %mul3A_46 : i32
      %multiple_of3A_48 = tpu.assume_multiple %add3A_47, 8 : i32
      %lt3A_49 = arith.constant 125 : i32
      %lt3A_50 = arith.cmpi slt, %add3A_44, %lt3A_49 : i32
      %convert_element_type3A_51 = arith.extui %lt3A_50 : i1 to i32
      %cond3A_52 = arith.constant 0 : i32
      %cond3A_53 = arith.cmpi ne, %convert_element_type3A_51, %cond3A_52 : i32
      scf.if %cond3A_53 {
        %dma_wait3A = arith.constant 0 : i32
        %dma_wait3A_80 = arith.constant 0 : i32
        %dma_wait3A_81 = tpu.memref_slice %arg3[%dma_wait3A, %dma_wait3A_80] : memref<320000x16xf32, #tpu.memory_space<hbm>> -> memref<320000x16xf32, #tpu.memory_space<hbm>>
        tpu.wait_indirect_dma semaphore(%arg14 : memref<!tpu.dma_semaphore, #tpu.memory_space<semaphore_mem>>) src(%dma_wait3A_81 : memref<320000x16xf32, #tpu.memory_space<hbm>>) dst(%arg10 : memref<80x16xf32, #tpu.memory_space<vmem>>)
        %dma_start3A_82 = arith.constant 0 : i32
        %dma_start3A_83 = tpu.memref_slice %arg4[%multiple_of3A_48, %dma_start3A_82] : memref<320000x16xf32, #tpu.memory_space<hbm>> -> memref<80x16xf32, #tpu.memory_space<hbm>>
        %dma_start3A_84 = arith.constant 0 : i32
        %dma_start3A_85 = tpu.memref_slice %arg4[%multiple_of3A_48, %dma_start3A_84] : memref<320000x16xf32, #tpu.memory_space<hbm>> -> memref<80x16xf32, #tpu.memory_space<hbm>>
        tpu.enqueue_dma source(%arg10 : memref<80x16xf32, #tpu.memory_space<vmem>>) target(%dma_start3A_85 : memref<80x16xf32, #tpu.memory_space<hbm>>) target_semaphore(%arg18 : memref<!tpu.dma_semaphore, #tpu.memory_space<semaphore_mem>>)
        %add3A_86 = arith.constant 4 : i32
        %add3A_87 = arith.addi %add3A_44, %add3A_86 : i32
        %lt3A_88 = arith.constant 125 : i32
        %lt3A_89 = arith.cmpi slt, %add3A_87, %lt3A_88 : i32
        %convert_element_type3A_90 = arith.extui %lt3A_89 : i1 to i32
        %cond3A_91 = arith.constant 0 : i32
        %cond3A_92 = arith.cmpi ne, %convert_element_type3A_90, %cond3A_91 : i32
        scf.if %cond3A_92 {
          %add3A_99 = arith.constant 4 : i32
          %add3A_100 = arith.addi %add3A_44, %add3A_99 : i32
          %mul3A_101 = arith.constant 80 : i32
          %mul3A_102 = arith.muli %add3A_100, %mul3A_101 : i32
          %add3A_103 = arith.addi %mul3A_2, %mul3A_102 : i32
          %multiple_of3A_104 = tpu.assume_multiple %add3A_103, 8 : i32
          "tpu.region"() ({
            %run_scoped3A = tpu.sem_alloc : memref<!tpu.dma_semaphore, #tpu.memory_space<semaphore_mem>>
            %dma_start3A_112 = tpu.memref_slice %arg2[%multiple_of3A_104] : memref<320000xi32, #tpu.memory_space<hbm>> -> memref<80xi32, #tpu.memory_space<hbm>>
            %dma_start3A_113 = tpu.memref_slice %arg2[%multiple_of3A_104] : memref<320000xi32, #tpu.memory_space<hbm>> -> memref<80xi32, #tpu.memory_space<hbm>>
            tpu.enqueue_dma source(%dma_start3A_113 : memref<80xi32, #tpu.memory_space<hbm>>) target(%arg6 : memref<80xi32, #tpu.memory_space<vmem>>) target_semaphore(%run_scoped3A : memref<!tpu.dma_semaphore, #tpu.memory_space<semaphore_mem>>)
            %dma_wait3A_114 = tpu.memref_slice %arg2[%multiple_of3A_104] : memref<320000xi32, #tpu.memory_space<hbm>> -> memref<80xi32, #tpu.memory_space<hbm>>
            %dma_wait3A_115 = tpu.memref_slice %arg2[%multiple_of3A_104] : memref<320000xi32, #tpu.memory_space<hbm>> -> memref<80xi32, #tpu.memory_space<hbm>>
            tpu.wait_dma2 semaphore(%run_scoped3A : memref<!tpu.dma_semaphore, #tpu.memory_space<semaphore_mem>>) src(%dma_wait3A_115 : memref<80xi32, #tpu.memory_space<hbm>>) dst(%arg6 : memref<80xi32, #tpu.memory_space<vmem>>)
            tpu.yield
          }) : () -> ()
          %dma_wait3A_105 = arith.constant 0 : i32
          %dma_wait3A_106 = tpu.memref_slice %arg4[%multiple_of3A_48, %dma_wait3A_105] : memref<320000x16xf32, #tpu.memory_space<hbm>> -> memref<80x16xf32, #tpu.memory_space<hbm>>
          %dma_wait3A_107 = arith.constant 0 : i32
          %dma_wait3A_108 = tpu.memref_slice %arg4[%multiple_of3A_48, %dma_wait3A_107] : memref<320000x16xf32, #tpu.memory_space<hbm>> -> memref<80x16xf32, #tpu.memory_space<hbm>>
          tpu.wait_dma2 semaphore(%arg18 : memref<!tpu.dma_semaphore, #tpu.memory_space<semaphore_mem>>) src(%arg10 : memref<80x16xf32, #tpu.memory_space<vmem>>) dst(%dma_wait3A_108 : memref<80x16xf32, #tpu.memory_space<hbm>>)
          %dma_start3A_109 = arith.constant 0 : i32
          %dma_start3A_110 = arith.constant 0 : i32
          %dma_start3A_111 = tpu.memref_slice %arg3[%dma_start3A_109, %dma_start3A_110] : memref<320000x16xf32, #tpu.memory_space<hbm>> -> memref<320000x16xf32, #tpu.memory_space<hbm>>
          tpu.enqueue_indirect_dma source(%dma_start3A_111 : memref<320000x16xf32, #tpu.memory_space<hbm>>) target(%arg10 : memref<80x16xf32, #tpu.memory_space<vmem>>) offsets(%arg6 : memref<80xi32, #tpu.memory_space<vmem>>) semaphore(%arg14 : memref<!tpu.dma_semaphore, #tpu.memory_space<semaphore_mem>>)
        } else {
        }
        %add3A_93 = arith.constant 4 : i32
        %add3A_94 = arith.addi %add3A_44, %add3A_93 : i32
        %ge3A = arith.constant 125 : i32
        %ge3A_95 = arith.cmpi sge, %add3A_94, %ge3A : i32
        %convert_element_type3A_96 = arith.extui %ge3A_95 : i1 to i32
        %cond3A_97 = arith.constant 0 : i32
        %cond3A_98 = arith.cmpi ne, %convert_element_type3A_96, %cond3A_97 : i32
        scf.if %cond3A_98 {
          %dma_wait3A_99 = arith.constant 0 : i32
          %dma_wait3A_100 = tpu.memref_slice %arg4[%multiple_of3A_48, %dma_wait3A_99] : memref<320000x16xf32, #tpu.memory_space<hbm>> -> memref<80x16xf32, #tpu.memory_space<hbm>>
          %dma_wait3A_101 = arith.constant 0 : i32
          %dma_wait3A_102 = tpu.memref_slice %arg4[%multiple_of3A_48, %dma_wait3A_101] : memref<320000x16xf32, #tpu.memory_space<hbm>> -> memref<80x16xf32, #tpu.memory_space<hbm>>
          tpu.wait_dma2 semaphore(%arg18 : memref<!tpu.dma_semaphore, #tpu.memory_space<semaphore_mem>>) src(%arg10 : memref<80x16xf32, #tpu.memory_space<vmem>>) dst(%dma_wait3A_102 : memref<80x16xf32, #tpu.memory_space<hbm>>)
        } else {
        }
      } else {
      }
      %mul3A_54 = arith.constant 4 : i32
      %mul3A_55 = arith.muli %scan3A_30, %mul3A_54 : i32
      %add3A_56 = arith.constant 2 : i32
      %add3A_57 = arith.addi %mul3A_55, %add3A_56 : i32
      %mul3A_58 = arith.constant 80 : i32
      %mul3A_59 = arith.muli %add3A_57, %mul3A_58 : i32
      %add3A_60 = arith.addi %mul3A_2, %mul3A_59 : i32
      %multiple_of3A_61 = tpu.assume_multiple %add3A_60, 8 : i32
      %lt3A_62 = arith.constant 125 : i32
      %lt3A_63 = arith.cmpi slt, %add3A_57, %lt3A_62 : i32
      %convert_element_type3A_64 = arith.extui %lt3A_63 : i1 to i32
      %cond3A_65 = arith.constant 0 : i32
      %cond3A_66 = arith.cmpi ne, %convert_element_type3A_64, %cond3A_65 : i32
      scf.if %cond3A_66 {
        %dma_wait3A = arith.constant 0 : i32
        %dma_wait3A_80 = arith.constant 0 : i32
        %dma_wait3A_81 = tpu.memref_slice %arg3[%dma_wait3A, %dma_wait3A_80] : memref<320000x16xf32, #tpu.memory_space<hbm>> -> memref<320000x16xf32, #tpu.memory_space<hbm>>
        tpu.wait_indirect_dma semaphore(%arg15 : memref<!tpu.dma_semaphore, #tpu.memory_space<semaphore_mem>>) src(%dma_wait3A_81 : memref<320000x16xf32, #tpu.memory_space<hbm>>) dst(%arg11 : memref<80x16xf32, #tpu.memory_space<vmem>>)
        %dma_start3A_82 = arith.constant 0 : i32
        %dma_start3A_83 = tpu.memref_slice %arg4[%multiple_of3A_61, %dma_start3A_82] : memref<320000x16xf32, #tpu.memory_space<hbm>> -> memref<80x16xf32, #tpu.memory_space<hbm>>
        %dma_start3A_84 = arith.constant 0 : i32
        %dma_start3A_85 = tpu.memref_slice %arg4[%multiple_of3A_61, %dma_start3A_84] : memref<320000x16xf32, #tpu.memory_space<hbm>> -> memref<80x16xf32, #tpu.memory_space<hbm>>
        tpu.enqueue_dma source(%arg11 : memref<80x16xf32, #tpu.memory_space<vmem>>) target(%dma_start3A_85 : memref<80x16xf32, #tpu.memory_space<hbm>>) target_semaphore(%arg19 : memref<!tpu.dma_semaphore, #tpu.memory_space<semaphore_mem>>)
        %add3A_86 = arith.constant 4 : i32
        %add3A_87 = arith.addi %add3A_57, %add3A_86 : i32
        %lt3A_88 = arith.constant 125 : i32
        %lt3A_89 = arith.cmpi slt, %add3A_87, %lt3A_88 : i32
        %convert_element_type3A_90 = arith.extui %lt3A_89 : i1 to i32
        %cond3A_91 = arith.constant 0 : i32
        %cond3A_92 = arith.cmpi ne, %convert_element_type3A_90, %cond3A_91 : i32
        scf.if %cond3A_92 {
          %add3A_99 = arith.constant 4 : i32
          %add3A_100 = arith.addi %add3A_57, %add3A_99 : i32
          %mul3A_101 = arith.constant 80 : i32
          %mul3A_102 = arith.muli %add3A_100, %mul3A_101 : i32
          %add3A_103 = arith.addi %mul3A_2, %mul3A_102 : i32
          %multiple_of3A_104 = tpu.assume_multiple %add3A_103, 8 : i32
          "tpu.region"() ({
            %run_scoped3A = tpu.sem_alloc : memref<!tpu.dma_semaphore, #tpu.memory_space<semaphore_mem>>
            %dma_start3A_112 = tpu.memref_slice %arg2[%multiple_of3A_104] : memref<320000xi32, #tpu.memory_space<hbm>> -> memref<80xi32, #tpu.memory_space<hbm>>
            %dma_start3A_113 = tpu.memref_slice %arg2[%multiple_of3A_104] : memref<320000xi32, #tpu.memory_space<hbm>> -> memref<80xi32, #tpu.memory_space<hbm>>
            tpu.enqueue_dma source(%dma_start3A_113 : memref<80xi32, #tpu.memory_space<hbm>>) target(%arg7 : memref<80xi32, #tpu.memory_space<vmem>>) target_semaphore(%run_scoped3A : memref<!tpu.dma_semaphore, #tpu.memory_space<semaphore_mem>>)
            %dma_wait3A_114 = tpu.memref_slice %arg2[%multiple_of3A_104] : memref<320000xi32, #tpu.memory_space<hbm>> -> memref<80xi32, #tpu.memory_space<hbm>>
            %dma_wait3A_115 = tpu.memref_slice %arg2[%multiple_of3A_104] : memref<320000xi32, #tpu.memory_space<hbm>> -> memref<80xi32, #tpu.memory_space<hbm>>
            tpu.wait_dma2 semaphore(%run_scoped3A : memref<!tpu.dma_semaphore, #tpu.memory_space<semaphore_mem>>) src(%dma_wait3A_115 : memref<80xi32, #tpu.memory_space<hbm>>) dst(%arg7 : memref<80xi32, #tpu.memory_space<vmem>>)
            tpu.yield
          }) : () -> ()
          %dma_wait3A_105 = arith.constant 0 : i32
          %dma_wait3A_106 = tpu.memref_slice %arg4[%multiple_of3A_61, %dma_wait3A_105] : memref<320000x16xf32, #tpu.memory_space<hbm>> -> memref<80x16xf32, #tpu.memory_space<hbm>>
          %dma_wait3A_107 = arith.constant 0 : i32
          %dma_wait3A_108 = tpu.memref_slice %arg4[%multiple_of3A_61, %dma_wait3A_107] : memref<320000x16xf32, #tpu.memory_space<hbm>> -> memref<80x16xf32, #tpu.memory_space<hbm>>
          tpu.wait_dma2 semaphore(%arg19 : memref<!tpu.dma_semaphore, #tpu.memory_space<semaphore_mem>>) src(%arg11 : memref<80x16xf32, #tpu.memory_space<vmem>>) dst(%dma_wait3A_108 : memref<80x16xf32, #tpu.memory_space<hbm>>)
          %dma_start3A_109 = arith.constant 0 : i32
          %dma_start3A_110 = arith.constant 0 : i32
          %dma_start3A_111 = tpu.memref_slice %arg3[%dma_start3A_109, %dma_start3A_110] : memref<320000x16xf32, #tpu.memory_space<hbm>> -> memref<320000x16xf32, #tpu.memory_space<hbm>>
          tpu.enqueue_indirect_dma source(%dma_start3A_111 : memref<320000x16xf32, #tpu.memory_space<hbm>>) target(%arg11 : memref<80x16xf32, #tpu.memory_space<vmem>>) offsets(%arg7 : memref<80xi32, #tpu.memory_space<vmem>>) semaphore(%arg15 : memref<!tpu.dma_semaphore, #tpu.memory_space<semaphore_mem>>)
        } else {
        }
        %add3A_93 = arith.constant 4 : i32
        %add3A_94 = arith.addi %add3A_57, %add3A_93 : i32
        %ge3A = arith.constant 125 : i32
        %ge3A_95 = arith.cmpi sge, %add3A_94, %ge3A : i32
        %convert_element_type3A_96 = arith.extui %ge3A_95 : i1 to i32
        %cond3A_97 = arith.constant 0 : i32
        %cond3A_98 = arith.cmpi ne, %convert_element_type3A_96, %cond3A_97 : i32
        scf.if %cond3A_98 {
          %dma_wait3A_99 = arith.constant 0 : i32
          %dma_wait3A_100 = tpu.memref_slice %arg4[%multiple_of3A_61, %dma_wait3A_99] : memref<320000x16xf32, #tpu.memory_space<hbm>> -> memref<80x16xf32, #tpu.memory_space<hbm>>
          %dma_wait3A_101 = arith.constant 0 : i32
          %dma_wait3A_102 = tpu.memref_slice %arg4[%multiple_of3A_61, %dma_wait3A_101] : memref<320000x16xf32, #tpu.memory_space<hbm>> -> memref<80x16xf32, #tpu.memory_space<hbm>>
          tpu.wait_dma2 semaphore(%arg19 : memref<!tpu.dma_semaphore, #tpu.memory_space<semaphore_mem>>) src(%arg11 : memref<80x16xf32, #tpu.memory_space<vmem>>) dst(%dma_wait3A_102 : memref<80x16xf32, #tpu.memory_space<hbm>>)
        } else {
        }
      } else {
      }
      %mul3A_67 = arith.constant 4 : i32
      %mul3A_68 = arith.muli %scan3A_30, %mul3A_67 : i32
      %add3A_69 = arith.constant 3 : i32
      %add3A_70 = arith.addi %mul3A_68, %add3A_69 : i32
      %mul3A_71 = arith.constant 80 : i32
      %mul3A_72 = arith.muli %add3A_70, %mul3A_71 : i32
      %add3A_73 = arith.addi %mul3A_2, %mul3A_72 : i32
      %multiple_of3A_74 = tpu.assume_multiple %add3A_73, 8 : i32
      %lt3A_75 = arith.constant 125 : i32
      %lt3A_76 = arith.cmpi slt, %add3A_70, %lt3A_75 : i32
      %convert_element_type3A_77 = arith.extui %lt3A_76 : i1 to i32
      %cond3A_78 = arith.constant 0 : i32
      %cond3A_79 = arith.cmpi ne, %convert_element_type3A_77, %cond3A_78 : i32
      scf.if %cond3A_79 {
        %dma_wait3A = arith.constant 0 : i32
        %dma_wait3A_80 = arith.constant 0 : i32
        %dma_wait3A_81 = tpu.memref_slice %arg3[%dma_wait3A, %dma_wait3A_80] : memref<320000x16xf32, #tpu.memory_space<hbm>> -> memref<320000x16xf32, #tpu.memory_space<hbm>>
        tpu.wait_indirect_dma semaphore(%arg16 : memref<!tpu.dma_semaphore, #tpu.memory_space<semaphore_mem>>) src(%dma_wait3A_81 : memref<320000x16xf32, #tpu.memory_space<hbm>>) dst(%arg12 : memref<80x16xf32, #tpu.memory_space<vmem>>)
        %dma_start3A_82 = arith.constant 0 : i32
        %dma_start3A_83 = tpu.memref_slice %arg4[%multiple_of3A_74, %dma_start3A_82] : memref<320000x16xf32, #tpu.memory_space<hbm>> -> memref<80x16xf32, #tpu.memory_space<hbm>>
        %dma_start3A_84 = arith.constant 0 : i32
        %dma_start3A_85 = tpu.memref_slice %arg4[%multiple_of3A_74, %dma_start3A_84] : memref<320000x16xf32, #tpu.memory_space<hbm>> -> memref<80x16xf32, #tpu.memory_space<hbm>>
        tpu.enqueue_dma source(%arg12 : memref<80x16xf32, #tpu.memory_space<vmem>>) target(%dma_start3A_85 : memref<80x16xf32, #tpu.memory_space<hbm>>) target_semaphore(%arg20 : memref<!tpu.dma_semaphore, #tpu.memory_space<semaphore_mem>>)
        %add3A_86 = arith.constant 4 : i32
        %add3A_87 = arith.addi %add3A_70, %add3A_86 : i32
        %lt3A_88 = arith.constant 125 : i32
        %lt3A_89 = arith.cmpi slt, %add3A_87, %lt3A_88 : i32
        %convert_element_type3A_90 = arith.extui %lt3A_89 : i1 to i32
        %cond3A_91 = arith.constant 0 : i32
        %cond3A_92 = arith.cmpi ne, %convert_element_type3A_90, %cond3A_91 : i32
        scf.if %cond3A_92 {
          %add3A_99 = arith.constant 4 : i32
          %add3A_100 = arith.addi %add3A_70, %add3A_99 : i32
          %mul3A_101 = arith.constant 80 : i32
          %mul3A_102 = arith.muli %add3A_100, %mul3A_101 : i32
          %add3A_103 = arith.addi %mul3A_2, %mul3A_102 : i32
          %multiple_of3A_104 = tpu.assume_multiple %add3A_103, 8 : i32
          "tpu.region"() ({
            %run_scoped3A = tpu.sem_alloc : memref<!tpu.dma_semaphore, #tpu.memory_space<semaphore_mem>>
            %dma_start3A_112 = tpu.memref_slice %arg2[%multiple_of3A_104] : memref<320000xi32, #tpu.memory_space<hbm>> -> memref<80xi32, #tpu.memory_space<hbm>>
            %dma_start3A_113 = tpu.memref_slice %arg2[%multiple_of3A_104] : memref<320000xi32, #tpu.memory_space<hbm>> -> memref<80xi32, #tpu.memory_space<hbm>>
            tpu.enqueue_dma source(%dma_start3A_113 : memref<80xi32, #tpu.memory_space<hbm>>) target(%arg8 : memref<80xi32, #tpu.memory_space<vmem>>) target_semaphore(%run_scoped3A : memref<!tpu.dma_semaphore, #tpu.memory_space<semaphore_mem>>)
            %dma_wait3A_114 = tpu.memref_slice %arg2[%multiple_of3A_104] : memref<320000xi32, #tpu.memory_space<hbm>> -> memref<80xi32, #tpu.memory_space<hbm>>
            %dma_wait3A_115 = tpu.memref_slice %arg2[%multiple_of3A_104] : memref<320000xi32, #tpu.memory_space<hbm>> -> memref<80xi32, #tpu.memory_space<hbm>>
            tpu.wait_dma2 semaphore(%run_scoped3A : memref<!tpu.dma_semaphore, #tpu.memory_space<semaphore_mem>>) src(%dma_wait3A_115 : memref<80xi32, #tpu.memory_space<hbm>>) dst(%arg8 : memref<80xi32, #tpu.memory_space<vmem>>)
            tpu.yield
          }) : () -> ()
          %dma_wait3A_105 = arith.constant 0 : i32
          %dma_wait3A_106 = tpu.memref_slice %arg4[%multiple_of3A_74, %dma_wait3A_105] : memref<320000x16xf32, #tpu.memory_space<hbm>> -> memref<80x16xf32, #tpu.memory_space<hbm>>
          %dma_wait3A_107 = arith.constant 0 : i32
          %dma_wait3A_108 = tpu.memref_slice %arg4[%multiple_of3A_74, %dma_wait3A_107] : memref<320000x16xf32, #tpu.memory_space<hbm>> -> memref<80x16xf32, #tpu.memory_space<hbm>>
          tpu.wait_dma2 semaphore(%arg20 : memref<!tpu.dma_semaphore, #tpu.memory_space<semaphore_mem>>) src(%arg12 : memref<80x16xf32, #tpu.memory_space<vmem>>) dst(%dma_wait3A_108 : memref<80x16xf32, #tpu.memory_space<hbm>>)
          %dma_start3A_109 = arith.constant 0 : i32
          %dma_start3A_110 = arith.constant 0 : i32
          %dma_start3A_111 = tpu.memref_slice %arg3[%dma_start3A_109, %dma_start3A_110] : memref<320000x16xf32, #tpu.memory_space<hbm>> -> memref<320000x16xf32, #tpu.memory_space<hbm>>
          tpu.enqueue_indirect_dma source(%dma_start3A_111 : memref<320000x16xf32, #tpu.memory_space<hbm>>) target(%arg12 : memref<80x16xf32, #tpu.memory_space<vmem>>) offsets(%arg8 : memref<80xi32, #tpu.memory_space<vmem>>) semaphore(%arg16 : memref<!tpu.dma_semaphore, #tpu.memory_space<semaphore_mem>>)
        } else {
        }
        %add3A_93 = arith.constant 4 : i32
        %add3A_94 = arith.addi %add3A_70, %add3A_93 : i32
        %ge3A = arith.constant 125 : i32
        %ge3A_95 = arith.cmpi sge, %add3A_94, %ge3A : i32
        %convert_element_type3A_96 = arith.extui %ge3A_95 : i1 to i32
        %cond3A_97 = arith.constant 0 : i32
        %cond3A_98 = arith.cmpi ne, %convert_element_type3A_96, %cond3A_97 : i32
        scf.if %cond3A_98 {
          %dma_wait3A_99 = arith.constant 0 : i32
          %dma_wait3A_100 = tpu.memref_slice %arg4[%multiple_of3A_74, %dma_wait3A_99] : memref<320000x16xf32, #tpu.memory_space<hbm>> -> memref<80x16xf32, #tpu.memory_space<hbm>>
          %dma_wait3A_101 = arith.constant 0 : i32
          %dma_wait3A_102 = tpu.memref_slice %arg4[%multiple_of3A_74, %dma_wait3A_101] : memref<320000x16xf32, #tpu.memory_space<hbm>> -> memref<80x16xf32, #tpu.memory_space<hbm>>
          tpu.wait_dma2 semaphore(%arg20 : memref<!tpu.dma_semaphore, #tpu.memory_space<semaphore_mem>>) src(%arg12 : memref<80x16xf32, #tpu.memory_space<vmem>>) dst(%dma_wait3A_102 : memref<80x16xf32, #tpu.memory_space<hbm>>)
        } else {
        }
      } else {
      }
    }
    %scan3A_29 = arith.constant 32 : i32
    return
  }
}

module attributes {stable_mosaic.version = 14 : i64} {
  func.func @_pre_body(%arg0: i32, %arg1: memref<1000x128xf32, #tpu.memory_space<vmem>>, %arg2: memref<128x128xf32, #tpu.memory_space<vmem>>, %arg3: memref<1x128xf32, #tpu.memory_space<vmem>>, %arg4: memref<1000x128xf32, #tpu.memory_space<vmem>>) attributes {dimension_semantics = [#tpu.dimension_semantics<arbitrary>], iteration_bounds = array<i64: 10>, scalar_prefetch = 0 : i64, scratch_operands = 0 : i64, tpu.core_type = #tpu.core_type<tc>, window_params = [{transform_indices = @transform_0, window_bounds = array<i64: 1000, 128>}, {pipeline_mode = #tpu.pipeline_mode<synchronous>, transform_indices = @transform_1, window_bounds = array<i64: 128, 128>}, {pipeline_mode = #tpu.pipeline_mode<synchronous>, transform_indices = @transform_2, window_bounds = array<i64: 1, 128>}, {transform_indices = @transform_3, window_bounds = array<i64: 1000, 128>}]} {
    %get3A = arith.constant 0 : index
    %get3A_0 = arith.constant 0 : index
    %get3A_1 = vector.load %arg1[%get3A, %get3A_0] : memref<1000x128xf32, #tpu.memory_space<vmem>>, vector<1000x128xf32>
    %get3A_2 = arith.constant 0 : index
    %get3A_3 = arith.constant 0 : index
    %get3A_4 = vector.load %arg2[%get3A_2, %get3A_3] : memref<128x128xf32, #tpu.memory_space<vmem>>, vector<128x128xf32>
    %dot_general3A = arith.constant dense<0.000000e+00> : vector<1000x128xf32>
    %dot_general3A_5 = tpu.matmul %get3A_1, %get3A_4, %dot_general3A {dimension_numbers = #tpu.dot_dimension_numbers<[1], [1], [0], [0], [0, 0, 1, 0], [], []>, precision = #tpu.contract_precision<fp32>, transpose_lhs_hint = false} : vector<1000x128xf32>, vector<128x128xf32>, vector<1000x128xf32> -> vector<1000x128xf32>
    %get3A_6 = arith.constant 0 : index
    %get3A_7 = arith.constant 0 : index
    %get3A_8 = vector.load %arg3[%get3A_6, %get3A_7] : memref<1x128xf32, #tpu.memory_space<vmem>>, vector<1x128xf32>
    %add3A = vector.broadcast %get3A_8 : vector<1x128xf32> to vector<1000x128xf32>
    %add3A_9 = arith.addf %dot_general3A_5, %add3A : vector<1000x128xf32>
    %swap3A = arith.constant 0 : index
    %swap3A_10 = arith.constant 0 : index
    %swap3A_11 = vector.load %arg4[%swap3A, %swap3A_10] : memref<1000x128xf32, #tpu.memory_space<vmem>>, vector<1000x128xf32>
    tpu.vector_store %arg4[%swap3A, %swap3A_10], %add3A_9 {strides = array<i32>} : memref<1000x128xf32, #tpu.memory_space<vmem>>, vector<1000x128xf32>,
    return
  }
  func.func @transform_0(%arg0: i32) -> (i32, i32) {
    %c0_i32 = arith.constant 0 : i32
    %c0_i32_0 = arith.constant 0 : i32
    return %arg0, %c0_i32 : i32, i32
  }
  func.func @transform_1(%arg0: i32) -> (i32, i32) {
    %c0_i32 = arith.constant 0 : i32
    %c0_i32_0 = arith.constant 0 : i32
    %c0_i32_1 = arith.constant 0 : i32
    return %c0_i32, %c0_i32_0 : i32, i32
  }
  func.func @transform_2(%arg0: i32) -> (i32, i32) {
    %c0_i32 = arith.constant 0 : i32
    %c0_i32_0 = arith.constant 0 : i32
    %c0_i32_1 = arith.constant 0 : i32
    return %c0_i32, %c0_i32_0 : i32, i32
  }
  func.func @transform_3(%arg0: i32) -> (i32, i32) {
    %c0_i32 = arith.constant 0 : i32
    %c0_i32_0 = arith.constant 0 : i32
    return %arg0, %c0_i32 : i32, i32
  }
}

module attributes {stable_mosaic.version = 14 : i64} {
  func.func @_post_body(%arg0: i32, %arg1: memref<200x128xf32, #tpu.memory_space<vmem>>, %arg2: memref<6400x128xf32, #tpu.memory_space<vmem>>, %arg3: memref<102400xf32, #tpu.memory_space<vmem>>, %arg4: memref<200x32xi32, #tpu.memory_space<vmem>>, %arg5: memref<128x1024xf32, #tpu.memory_space<vmem>>, %arg6: memref<128x8xf32, #tpu.memory_space<vmem>>, %arg7: memref<128x8xf32, #tpu.memory_space<vmem>>, %arg8: memref<128x8xf32, #tpu.memory_space<vmem>>, %arg9: memref<8x128xf32, #tpu.memory_space<vmem>>, %arg10: memref<1x128xf32, #tpu.memory_space<vmem>>, %arg11: memref<200x128xf32, #tpu.memory_space<vmem>>) attributes {dimension_semantics = [#tpu.dimension_semantics<arbitrary>], iteration_bounds = array<i64: 50>, scalar_prefetch = 0 : i64, scratch_operands = 0 : i64, tpu.core_type = #tpu.core_type<tc>, window_params = [{transform_indices = @transform_0, window_bounds = array<i64: 200, 128>}, {transform_indices = @transform_1, window_bounds = array<i64: 6400, 128>}, {transform_indices = @transform_2, window_bounds = array<i64: 102400>}, {transform_indices = @transform_3, window_bounds = array<i64: 200, 32>}, {pipeline_mode = #tpu.pipeline_mode<synchronous>, transform_indices = @transform_4, window_bounds = array<i64: 128, 1024>}, {pipeline_mode = #tpu.pipeline_mode<synchronous>, transform_indices = @transform_5, window_bounds = array<i64: 128, 8>}, {pipeline_mode = #tpu.pipeline_mode<synchronous>, transform_indices = @transform_6, window_bounds = array<i64: 128, 8>}, {pipeline_mode = #tpu.pipeline_mode<synchronous>, transform_indices = @transform_7, window_bounds = array<i64: 128, 8>}, {pipeline_mode = #tpu.pipeline_mode<synchronous>, transform_indices = @transform_8, window_bounds = array<i64: 8, 128>}, {pipeline_mode = #tpu.pipeline_mode<synchronous>, transform_indices = @transform_9, window_bounds = array<i64: 1, 128>}, {transform_indices = @transform_10, window_bounds = array<i64: 200, 128>}]} {
    %get3A = arith.constant 0 : index
    %get3A_0 = arith.constant 0 : index
    %get3A_1 = vector.load %arg2[%get3A, %get3A_0] : memref<6400x128xf32, #tpu.memory_space<vmem>>, vector<6400x128xf32>
    %get3A_2 = arith.constant 0 : index
    %get3A_3 = vector.load %arg3[%get3A_2] : memref<102400xf32, #tpu.memory_space<vmem>>, vector<102400xf32>
    %reshape3A = vector.shape_cast %get3A_3 : vector<102400xf32> to vector<800x128xf32>
    %get3A_4 = arith.constant 0 : index
    %get3A_5 = arith.constant 0 : index
    %get3A_6 = vector.load %arg5[%get3A_4, %get3A_5] : memref<128x1024xf32, #tpu.memory_space<vmem>>, vector<128x1024xf32>
    %dot_general3A = arith.constant dense<0.000000e+00> : vector<800x1024xf32>
    %dot_general3A_7 = tpu.matmul %reshape3A, %get3A_6, %dot_general3A {dimension_numbers = #tpu.dot_dimension_numbers<[1], [0], [0], [1], [0, 0, 1, 1], [], []>, transpose_lhs_hint = false} : vector<800x128xf32>, vector<128x1024xf32>, vector<800x1024xf32> -> vector<800x1024xf32>
    %reshape3A_8 = vector.shape_cast %dot_general3A_7 : vector<800x1024xf32> to vector<6400x128xf32>
    %get3A_9 = arith.constant 0 : index
    %get3A_10 = arith.constant 0 : index
    %get3A_11 = vector.load %arg10[%get3A_9, %get3A_10] : memref<1x128xf32, #tpu.memory_space<vmem>>, vector<1x128xf32>
    %add3A = vector.broadcast %get3A_11 : vector<1x128xf32> to vector<6400x128xf32>
    %add3A_12 = arith.addf %reshape3A_8, %add3A : vector<6400x128xf32>
    %add3A_13 = arith.addf %get3A_1, %add3A_12 : vector<6400x128xf32>
    %get3A_14 = arith.constant 0 : index
    %get3A_15 = arith.constant 0 : index
    %get3A_16 = vector.load %arg7[%get3A_14, %get3A_15] : memref<128x8xf32, #tpu.memory_space<vmem>>, vector<128x8xf32>
    %dot_general3A_17 = arith.constant dense<0.000000e+00> : vector<6400x8xf32>
    %dot_general3A_18 = tpu.matmul %get3A_1, %get3A_16, %dot_general3A_17 {dimension_numbers = #tpu.dot_dimension_numbers<[1], [0], [0], [1], [0, 0, 1, 1], [], []>, transpose_lhs_hint = false} : vector<6400x128xf32>, vector<128x8xf32>, vector<6400x8xf32> -> vector<6400x8xf32>
    %get3A_19 = arith.constant 0 : index
    %get3A_20 = arith.constant 0 : index
    %get3A_21 = vector.load %arg6[%get3A_19, %get3A_20] : memref<128x8xf32, #tpu.memory_space<vmem>>, vector<128x8xf32>
    %dot_general3A_22 = arith.constant dense<0.000000e+00> : vector<6400x8xf32>
    %dot_general3A_23 = tpu.matmul %add3A_12, %get3A_21, %dot_general3A_22 {dimension_numbers = #tpu.dot_dimension_numbers<[1], [0], [0], [1], [0, 0, 1, 1], [], []>, transpose_lhs_hint = false} : vector<6400x128xf32>, vector<128x8xf32>, vector<6400x8xf32> -> vector<6400x8xf32>
    %get3A_24 = arith.constant 0 : index
    %get3A_25 = arith.constant 0 : index
    %get3A_26 = vector.load %arg1[%get3A_24, %get3A_25] : memref<200x128xf32, #tpu.memory_space<vmem>>, vector<200x128xf32>
    %get3A_27 = arith.constant 0 : index
    %get3A_28 = arith.constant 0 : index
    %get3A_29 = vector.load %arg8[%get3A_27, %get3A_28] : memref<128x8xf32, #tpu.memory_space<vmem>>, vector<128x8xf32>
    %dot_general3A_30 = arith.constant dense<0.000000e+00> : vector<200x8xf32>
    %dot_general3A_31 = tpu.matmul %get3A_26, %get3A_29, %dot_general3A_30 {dimension_numbers = #tpu.dot_dimension_numbers<[1], [0], [0], [1], [0, 0, 1, 1], [], []>, transpose_lhs_hint = false} : vector<200x128xf32>, vector<128x8xf32>, vector<200x8xf32> -> vector<200x8xf32>
    %add3A_32 = arith.addf %dot_general3A_18, %dot_general3A_23 : vector<6400x8xf32>
    %reshape3A_33 = vector.shape_cast %add3A_32 : vector<6400x8xf32> to vector<200x32x8xf32>
    %broadcast_in_dim3A = vector.shape_cast %dot_general3A_31 : vector<200x8xf32> to vector<200x1x8xf32>
    %add3A_34 = vector.broadcast %broadcast_in_dim3A : vector<200x1x8xf32> to vector<200x32x8xf32>
    %add3A_35 = arith.addf %reshape3A_33, %add3A_34 : vector<200x32x8xf32>
    %ge3A = arith.constant 0.000000e+00 : f32
    %ge3A_36 = vector.broadcast %ge3A : f32 to vector<200x32x8xf32>
    %ge3A_37 = arith.cmpf oge, %add3A_35, %ge3A_36 : vector<200x32x8xf32>
    %mul3A = arith.constant 2.000000e-01 : f32
    %mul3A_38 = vector.broadcast %mul3A : f32 to vector<200x32x8xf32>
    %mul3A_39 = arith.mulf %mul3A_38, %add3A_35 : vector<200x32x8xf32>
    %select_n3A = arith.select %ge3A_37, %add3A_35, %mul3A_39 : vector<200x32x8xi1>, vector<200x32x8xf32>
    %get3A_40 = arith.constant 0 : index
    %get3A_41 = arith.constant 0 : index
    %get3A_42 = vector.load %arg4[%get3A_40, %get3A_41] : memref<200x32xi32, #tpu.memory_space<vmem>>, vector<200x32xi32>
    %reshape3A_43 = vector.shape_cast %get3A_42 : vector<200x32xi32> to vector<200x32x1xi32>
    %ne3A = arith.constant 0 : i32
    %ne3A_44 = vector.broadcast %ne3A : i32 to vector<200x32x1xi32>
    %ne3A_45 = arith.cmpi ne, %reshape3A_43, %ne3A_44 : vector<200x32x1xi32>
    %jit3A = arith.constant -1.000000e+09 : f32
    %broadcast_in_dim3A_46 = vector.shape_cast %ne3A_45 : vector<200x32x1xi1> to vector<200x32x1xi1>
    %broadcast_in_dim3A_47 = vector.broadcast %broadcast_in_dim3A_46 : vector<200x32x1xi1> to vector<200x32x8xi1>
    %broadcast_in_dim3A_48 = vector.broadcast %jit3A : f32 to vector<200x32x8xf32>
    %select_n3A_49 = arith.select %broadcast_in_dim3A_47, %select_n3A, %broadcast_in_dim3A_48 : vector<200x32x8xi1>, vector<200x32x8xf32>
    %reduce_max3A = arith.constant dense<0xFF800000> : vector<200x8xf32>
    %reduce_max3A_50 = vector.multi_reduction <maximumf>, %select_n3A_49, %reduce_max3A [1] : vector<200x32x8xf32> to vector<200x8xf32>
    %broadcast_in_dim3A_51 = vector.shape_cast %reduce_max3A_50 : vector<200x8xf32> to vector<200x1x8xf32>
    %sub3A = vector.broadcast %broadcast_in_dim3A_51 : vector<200x1x8xf32> to vector<200x32x8xf32>
    %sub3A_52 = arith.subf %select_n3A_49, %sub3A : vector<200x32x8xf32>
    %exp3A = math.exp %sub3A_52 : vector<200x32x8xf32>
    %reduce_sum3A = arith.constant dense<0.000000e+00> : vector<200x8xf32>
    %reduce_sum3A_53 = vector.multi_reduction <add>, %exp3A, %reduce_sum3A [1] : vector<200x32x8xf32> to vector<200x8xf32>
    %broadcast_in_dim3A_54 = vector.shape_cast %reduce_sum3A_53 : vector<200x8xf32> to vector<200x1x8xf32>
    %div3A = vector.broadcast %broadcast_in_dim3A_54 : vector<200x1x8xf32> to vector<200x32x8xf32>
    %div3A_55 = arith.divf %exp3A, %div3A : vector<200x32x8xf32>
    %reshape3A_56 = vector.shape_cast %div3A_55 : vector<200x32x8xf32> to vector<6400x8xf32>
    %get3A_57 = arith.constant 0 : index
    %get3A_58 = arith.constant 0 : index
    %get3A_59 = vector.load %arg9[%get3A_57, %get3A_58] : memref<8x128xf32, #tpu.memory_space<vmem>>, vector<8x128xf32>
    %dot_general3A_60 = arith.constant dense<0.000000e+00> : vector<6400x128xf32>
    %dot_general3A_61 = tpu.matmul %reshape3A_56, %get3A_59, %dot_general3A_60 {dimension_numbers = #tpu.dot_dimension_numbers<[1], [0], [0], [1], [0, 0, 1, 1], [], []>, transpose_lhs_hint = false} : vector<6400x8xf32>, vector<8x128xf32>, vector<6400x128xf32> -> vector<6400x128xf32>
    %mul3A_62 = arith.mulf %dot_general3A_61, %add3A_13 : vector<6400x128xf32>
    %reshape3A_63 = vector.shape_cast %mul3A_62 : vector<6400x128xf32> to vector<200x32x128xf32>
    %reduce_sum3A_64 = arith.constant dense<0.000000e+00> : vector<200x128xf32>
    %reduce_sum3A_65 = vector.multi_reduction <add>, %reshape3A_63, %reduce_sum3A_64 [1] : vector<200x32x128xf32> to vector<200x128xf32>
    %swap3A = arith.constant 0 : index
    %swap3A_66 = arith.constant 0 : index
    %swap3A_67 = vector.load %arg11[%swap3A, %swap3A_66] : memref<200x128xf32, #tpu.memory_space<vmem>>, vector<200x128xf32>
    tpu.vector_store %arg11[%swap3A, %swap3A_66], %reduce_sum3A_65 {strides = array<i32>} : memref<200x128xf32, #tpu.memory_space<vmem>>, vector<200x128xf32>,
    return
  }
  func.func @transform_0(%arg0: i32) -> (i32, i32) {
    %c0_i32 = arith.constant 0 : i32
    %c0_i32_0 = arith.constant 0 : i32
    return %arg0, %c0_i32 : i32, i32
  }
  func.func @transform_1(%arg0: i32) -> (i32, i32) {
    %c0_i32 = arith.constant 0 : i32
    %c0_i32_0 = arith.constant 0 : i32
    return %arg0, %c0_i32 : i32, i32
  }
  func.func @transform_2(%arg0: i32) -> i32 {
    %c0_i32 = arith.constant 0 : i32
    return %arg0 : i32
  }
  func.func @transform_3(%arg0: i32) -> (i32, i32) {
    %c0_i32 = arith.constant 0 : i32
    %c0_i32_0 = arith.constant 0 : i32
    return %arg0, %c0_i32 : i32, i32
  }
  func.func @transform_4(%arg0: i32) -> (i32, i32) {
    %c0_i32 = arith.constant 0 : i32
    %c0_i32_0 = arith.constant 0 : i32
    %c0_i32_1 = arith.constant 0 : i32
    return %c0_i32, %c0_i32_0 : i32, i32
  }
  func.func @transform_5(%arg0: i32) -> (i32, i32) {
    %c0_i32 = arith.constant 0 : i32
    %c0_i32_0 = arith.constant 0 : i32
    %c0_i32_1 = arith.constant 0 : i32
    return %c0_i32, %c0_i32_0 : i32, i32
  }
  func.func @transform_6(%arg0: i32) -> (i32, i32) {
    %c0_i32 = arith.constant 0 : i32
    %c0_i32_0 = arith.constant 0 : i32
    %c0_i32_1 = arith.constant 0 : i32
    return %c0_i32, %c0_i32_0 : i32, i32
  }
  func.func @transform_7(%arg0: i32) -> (i32, i32) {
    %c0_i32 = arith.constant 0 : i32
    %c0_i32_0 = arith.constant 0 : i32
    %c0_i32_1 = arith.constant 0 : i32
    return %c0_i32, %c0_i32_0 : i32, i32
  }
  func.func @transform_8(%arg0: i32) -> (i32, i32) {
    %c0_i32 = arith.constant 0 : i32
    %c0_i32_0 = arith.constant 0 : i32
    %c0_i32_1 = arith.constant 0 : i32
    return %c0_i32, %c0_i32_0 : i32, i32
  }
  func.func @transform_9(%arg0: i32) -> (i32, i32) {
    %c0_i32 = arith.constant 0 : i32
    %c0_i32_0 = arith.constant 0 : i32
    %c0_i32_1 = arith.constant 0 : i32
    return %c0_i32, %c0_i32_0 : i32, i32
  }
  func.func @transform_10(%arg0: i32) -> (i32, i32) {
    %c0_i32 = arith.constant 0 : i32
    %c0_i32_0 = arith.constant 0 : i32
    return %arg0, %c0_i32 : i32, i32
  }
}

</mosaic_0001>

<sc_bundles>
// kernel: kernel.6.cloned.1.call-start
scs
__scs_entry_jumppad:
0x0: {  	(pc) =	sbr.rel $0x88, $3  }
0x1: {  	(tag) =	ssettag $0x0;
	lr =	simm.s32 $0x1  }
0x2: {  	[smem:$0x3F96] =	sst lr;
	_ =	strace $0xD0000000  }
0x3: {  	_ = 	snop  }
0x4: {  	_ = 	snop  }
0x5: {  	_ = 	snop  }
0x6: {  	_ = 	snop  }
0x7: {  	_ = 	snop  }
__scs_overlays_trampoline_lowered:
0x8: {  	[smem:$0x3FA5] =	sst s0  }
0x9: {  	[smem:$0x3FA6] =	sst s1  }
0xa: {  	[smem:$0x3FA7] =	sst s2  }
0xb: {  	[smem:$0x3FA8] =	sst s3  }
0xc: {  	[smem:$0x3FA9] =	sst s4  }
0xd: {  	[smem:$0x3FAA] =	sst s5  }
0xe: {  	[smem:$0x3FAB] =	sst s6  }
0xf: {  	[smem:$0x3FAC] =	sst s7  }
0x10: {  	[smem:$0x3FAD] =	sst s8  }
0x11: {  	[smem:$0x3FAE] =	sst s9;
	s0 =	simm.s32 @!p0 $0x0  }
0x12: {  	s1 =	sld [smem:$0x3F94];
	s0 =	simm.s32 @p0 $0x1  }
0x13: {  	[smem:$0x3FAF] =	sst s0;
	s0 =	simm.s32 @!p1 $0x0  }
0x14: {  	s2 =	sld [smem:$0x3F93];
	s0 =	simm.s32 @p1 $0x1  }
0x15: {  	[smem:$0x3FB0] =	sst s0;
	s0 =	simm.s32 @!p2 $0x0  }
0x16: {  	s3 =	sld [smem:$0x3FDB];
	s0 =	simm.s32 @p2 $0x1  }
0x17: {  	s4 =	simm.s32 $0x1BF5;
	[smem:$0x3FB2] =	sst s0  }
0x18: {  	s0 =	sld [smem:$0x3F95];
	_ =	swait.ge [sflag:s4], $0x0  }
0x19: {  	s7 =	sld [smem:$0x3F96]  }
0x1a: {  	s8 =	sadd.s32 $0xFFFFE003, lr  }
0x1b: {  	s9 =	sadd.s32 $0xFFFFFEF7, lr;
	s5 =	simm.s32 $0xFFFFFFFF;
	p2 =	slt.u32 s8, $0xFFFFF086  }
0x1c: {  	p1 =	slt.u32 s9, $0xF7A;
	s5 =	simm.s32 @!p2 $0x0  }
0x1d: {  	s5 =	simm.s32 @p1 $0x1;
	p0 =	seq.s32 s7, s2  }
0x1e: {  	s7 =	smul.u32 @!p0 $0xF7A, s2;
	p2 =	seq.s32 @!p0 s5, $0x0  }
0x1f: {  	s9 =	smul.u32 $0xF7A, s1;
	s8 =	simm.s32 @!p0 $0x1BF5;
	p2 =	por !p2, p0  }
0x20: {  	[sflag:s8] =	ssyncset.s32 @!p0 $0xFFFFF086;
	s6 =	sadd.s32 @!p0 s3, s7;
	s7 =	simm.s32 @!p0 $0x108  }
0x21: {  	s3 =	sadd.s32 s3, s9;
	s6 =	sadd.s32 @!p0 $0x88, s6;
	s7 =	simm.s32 @p2 $0x1082  }
0x22: {  	[simem:s7], [sflag:s8] =	dma.local @!p0 [hbm:s6], $0xF7A  }
0x23: {  	s9 =	sor.u32 $0xD0000000, s2;
	s6 =	simm.s32 $0x108;
	_ =	swait.ge @!p0 [sflag:s8], $0x0  }
0x24: {  	s3 =	sadd.s32 $0x88, s3;
	s6 =	simm.s32 @!p1 $0x1082;
	[sflag:s4] =	ssyncset.s32 $0xFFFFF086  }
0x25: {  	[simem:s6], [sflag:s4] =	dma.local [hbm:s3], $0xF7A  }
0x26: {  	[smem:$0x3F96] =	sst s1;
	(tag) =	ssettag s2;
	_ =	strace s9  }
0x27: {  	s1 =	sld [smem:$0x3FA6]  }
0x28: {  	s2 =	sld [smem:$0x3FA7]  }
0x29: {  	s4 =	sld [smem:$0x3FA9]  }
0x2a: {  	p0 =	seq.s32 s5, $0x0;
	s5 =	sld [smem:$0x3FAA]  }
0x2b: {  	s6 =	sld [smem:$0x3FAB]  }
0x2c: {  	s7 =	sld [smem:$0x3FAC]  }
0x2d: {  	s3 =	simm.s32 $0x108;
	s8 =	sld [smem:$0x3FAD]  }
0x2e: {  	s3 =	simm.s32 @!p0 $0x1082;
	s9 =	sld [smem:$0x3FAE]  }
0x2f: {  	lr =	sadd.s32 s0, s3;
	s0 =	sld [smem:$0x3FA5]  }
0x30: {  	s3 =	sld [smem:$0x3FA8]  }
0x31: {  	[smem:$0x3FB1] =	sst s10  }
0x32: {  	s10 =	sld [smem:$0x3FAF];
	_ =	sdelay $0x3  }
0x33: {  	p0 =	seq.s32 s10, $0x1;
	s10 =	sld [smem:$0x3FB1];
	_ =	sdelay $0x3  }
0x34: {  	[smem:$0x3FB1] =	sst s10  }
0x35: {  	s10 =	sld [smem:$0x3FB0];
	_ =	sdelay $0x3  }
0x36: {  	p1 =	seq.s32 s10, $0x1;
	s10 =	sld [smem:$0x3FB1];
	_ =	sdelay $0x3  }
0x37: {  	[smem:$0x3FB1] =	sst s10  }
0x38: {  	s10 =	sld [smem:$0x3FB2]  }
0x39: {  	_ = 	snop;
	(pc) =	sbr.ind lr, $3  }
0x3a: {  	_ = 	snop  }
0x3b: {  	_ = 	snop  }
0x3c: {  	p2 =	seq.s32 s10, $0x1;
	s10 =	sld [smem:$0x3FB1]  }
0x3d: {  	_ =	shalt  }
0x3e: {  	_ =	shalt  }
0x3f: {  	_ =	shalt  }
0x40: {  	_ =	shalt  }
0x41: {  	_ =	shalt  }
0x42: {  	_ =	shalt  }
0x43: {  	_ =	shalt  }
0x44: {  	_ =	shalt  }
0x45: {  	_ =	shalt  }
0x46: {  	_ =	shalt  }
0x47: {  	_ =	shalt  }
0x48: {  	_ =	shalt  }
0x49: {  	_ =	shalt  }
0x4a: {  	_ =	shalt  }
0x4b: {  	_ =	shalt  }
0x4c: {  	_ =	shalt  }
0x4d: {  	_ =	shalt  }
0x4e: {  	_ =	shalt  }
0x4f: {  	_ =	shalt  }
0x50: {  	_ =	shalt  }
0x51: {  	_ =	shalt  }
0x52: {  	_ =	shalt  }
0x53: {  	_ =	shalt  }
0x54: {  	_ =	shalt  }
0x55: {  	_ =	shalt  }
0x56: {  	_ =	shalt  }
0x57: {  	_ =	shalt  }
0x58: {  	_ =	shalt  }
0x59: {  	_ =	shalt  }
0x5a: {  	_ =	shalt  }
0x5b: {  	_ =	shalt  }
0x5c: {  	_ =	shalt  }
0x5d: {  	_ =	shalt  }
0x5e: {  	_ =	shalt  }
0x5f: {  	_ =	shalt  }
0x60: {  	_ =	shalt  }
0x61: {  	_ =	shalt  }
0x62: {  	_ =	shalt  }
0x63: {  	_ =	shalt  }
0x64: {  	_ =	shalt  }
0x65: {  	_ =	shalt  }
0x66: {  	_ =	shalt  }
0x67: {  	_ =	shalt  }
0x68: {  	_ =	shalt  }
0x69: {  	_ =	shalt  }
0x6a: {  	_ =	shalt  }
0x6b: {  	_ =	shalt  }
0x6c: {  	_ =	shalt  }
0x6d: {  	_ =	shalt  }
0x6e: {  	_ =	shalt  }
0x6f: {  	_ =	shalt  }
0x70: {  	_ =	shalt  }
0x71: {  	_ =	shalt  }
0x72: {  	_ =	shalt  }
0x73: {  	_ =	shalt  }
0x74: {  	_ =	shalt  }
0x75: {  	_ =	shalt  }
0x76: {  	_ =	shalt  }
0x77: {  	_ =	shalt  }
0x78: {  	_ =	shalt  }
0x79: {  	_ =	shalt  }
0x7a: {  	_ =	shalt  }
0x7b: {  	_ =	shalt  }
0x7c: {  	_ =	shalt  }
0x7d: {  	_ =	shalt  }
0x7e: {  	_ =	shalt  }
0x7f: {  	_ =	shalt  }
0x80: {  	_ =	shalt  }
0x81: {  	_ =	shalt  }
0x82: {  	_ =	shalt  }
0x83: {  	_ =	shalt  }
0x84: {  	_ =	shalt  }
0x85: {  	_ =	shalt  }
0x86: {  	_ =	shalt  }
0x87: {  	_ =	shalt  }
.Lfunc_end0:
.L_simem_size_0:
called_computation_lowered:
.L_overlay_start_0:
0x88: {  	s2 =	sld [smem:$0x3FD9]  }
0x89: {  	s3 =	sld [smem:$0x3FFE];
	_ =	sdelay $0x1  }
0x8a: {  	s1 =	srdreg.scid  }
0x8b: {  	s0 =	sand.u32 $0x1, s1  }
0x8c: {  	s17 =	sshll.u32 s0, $0xA;
	s2 =	sadd.s32 s3, s2  }
0x8d: {  	s2 =	sadd.s32 s2, s17  }
0x8e: {  	[smem:$0x3FBD] =	sst s2  }
0x8f: {  	_ = 	snop  }
0x90: {  	s18 =	sld [smem:$0x3FD0];
	(tm) =	ssettm $0x1  }
0x91: {  	s19 =	sld [smem:$0x3FFB];
	_ =	sdelay $0x3  }
0x92: {  	_ =	strace s19  }
0x93: {  	s2 =	sld [smem:$0x3FFC];
	_ =	sdelay $0x3  }
0x94: {  	_ =	strace s2  }
0x95: {  	s2 =	sld [smem:$0x3FFD];
	_ =	sdelay $0x3  }
0x96: {  	_ =	strace s2  }
0x97: {  	_ =	strace $0x8FFFFFFF  }
0x98: {  	s20 =	sld [smem:$0x3FDB];
	_ =	sdelay $0x1  }
0x99: {  	s4 =	simm.s32 $_scs_section_size  }
0x9a: {  	s5 =	simm.s32 $_size__tile_overlayer_lowered;
	s6 =	simm.s32 $_tile_overlayer_lowered  }
0x9b: {  	s7 =	simm.s32 $0x1BFF;
	s21 =	sshll.u32 s6, $0x1;
	s4 =	sadd.s32 s4, s20  }
0x9c: {  	s22 =	simm.s32 $0x0;
	s5 =	sshll.u32 s5, $0x1;
	s6 =	sadd.s32 s21, s4  }
0x9d: {  	[timem:s22], [sflag:s7] =	dma.local [hbm:s6], s5  }
0x9e: {  	_ =	swait.ge [sflag:s7], s5  }
0x9f: {  	s5 =	ssub.s32 $0x0, s5;
	[sflag:s7] =	ssyncset.done $0x0  }
0xa0: {  	[sflag:s7] =	ssyncadd.s32 s5;
	_ =	sdelay $0x1  }
0xa1: {  	s23 =	simm.s32 $0x1B8B  }
0xa2: {  	_ =	swait.ge [sflag:s23], $0x1  }
0xa3: {  	[sflag:s23] =	ssyncset.done $0x0  }
0xa4: {  	[sflag:s23] =	ssyncadd.s32 $0xFFFFFFFF  }
0xa5: {  	s5 =	sld [smem:$0x0]  }
0xa6: {  	s6 =	sand.u32 $0xFFFFFFFE, s1  }
0xa7: {  	p0 =	sne.s32 s1, s6  }
0xa8: {  	s6 =	sshll.u32 @p0 s6, $0xE  }
0xa9: {  	s6 =	sadd.s32 @p0 $0x11B8D, s6;
	s7 =	sshll.u32 @p0 s5, $0x11  }
0xaa: {  	s6 =	sor.u32 @p0 s7, s6  }
0xab: {  	[sflag:s6] =	ssyncadd.remote.s32 @p0 $0x1;
	_ =	sdelay $0x1  }
0xac: {  	s6 =	simm.s32 @p0 $0x1B8D  }
0xad: {  	_ =	swait.eq @p0 [sflag:s6], $0x1  }
0xae: {  	[sflag:s6] =	ssyncadd.s32 @p0 $0xFFFFFFFF  }
0xaf: {  	s7 =	sshll.u32 @!p0 s1, $0xE  }
0xb0: {  	s7 =	sor.u32 @!p0 $0x4000, s7;
	s6 =	simm.s32 @!p0 $0x1B8D  }
0xb1: {  	s5 =	sshll.u32 @!p0 s5, $0x11;
	s7 =	sadd.s32 @!p0 $0x11B8D, s7;
	_ =	swait.eq @!p0 [sflag:s6], $0x1  }
0xb2: {  	s5 =	sor.u32 @!p0 s5, s7;
	[sflag:s6] =	ssyncadd.s32 @!p0 $0xFFFFFFFF  }
0xb3: {  	s25 =	simm.s32 $0x1B8E;
	s24 =	sld [smem:$0x3FFE];
	[sflag:s5] =	ssyncadd.remote.s32 @!p0 $0x1  }
0xb4: {  	s26 =	simm.s32 $execute0_lowered;
	[smem:$0x3FD2] =	sst s25  }
0xb5: {  	s6 =	sshll.u32 s26, $0x1;
	_ =	strace $0x80000049;
	[dreg:$0x1] =	wrdreg $0xFFFFFFFF  }
0xb6: {  	s28 =	simm.s32 $_size_execute0_lowered;
	s4 =	sadd.s32 s4, s6;
	[dreg:$0x0] =	wrdreg $0x0  }
0xb7: {  	s6 =	sshll.u32 s28, $0x1;
	[dreg:$0x2] =	wrdreg s4  }
0xb8: {  	[dreg:$0x3] =	wrdreg s6  }
0xb9: {  	[dreg:$0x4] =	wrdreg $0xC0  }
0xba: {  	_ =	task [dreg:s22], $0x5FFFF  }
0xbb: {  	[dreg:$0x1] =	wrdreg $0xFFFFFFFF  }
0xbc: {  	[dreg:$0x0] =	wrdreg $0x60  }
0xbd: {  	[dreg:$0x2] =	wrdreg s24  }
0xbe: {  	[dreg:$0x3] =	wrdreg s18  }
0xbf: {  	[dreg:$0x4] =	wrdreg $0x9  }
0xc0: {  	_ =	task.clear_ibuf [dreg:s22], $0x5FFFF;
	_ =	strace $0x90000049  }
0xc1: {  	s29 =	simm.s32 $0x9;
	_ =	strace $0x8000004B  }
0xc2: {  	_ =	swait.ge [sflag:s29], $0x1  }
0xc3: {  	[sflag:s29] =	ssyncadd.s32 $0xFFFFFFFF  }
0xc4: {  	_ =	strace $0x9000004B  }
0xc5: {  	_ =	sfence  }
0xc6: {  	s30 =	sld [smem:$0x0];
	_ =	sdelay $0x2  }
0xc7: {  	s31 =	sshll.u32 s1, $0xD;
	s1 =	sshrl.u32 s1, $0x2  }
0xc8: {  	s4 =	sand.u32 $0x4000, s31;
	s1 =	sadd.s32 s1, s30  }
0xc9: {  	s0 =	sor.u32 s4, s0;
	s1 =	sshll.u32 s1, $0x11  }
0xca: {  	s0 =	sor.u32 s1, s0  }
0xcb: {  	s0 =	sadd.s32 $0x8F2B, s0  }
0xcc: {  	[sflag:s0] =	ssyncadd.remote.s32 $0x1  }
0xcd: {  	_ =	sfence.sel $0xFFFF  }
0xce: {  	[dreg:$0x0] =	wrdreg $0xFFFFFFFF;
	(pc) =	sbr.abs _section_cstart, $3  }
0xcf: {  	[dreg:$0x1] =	wrdreg $0xFFFFFFFF  }
0xd0: {  	_ =	task.clear_ibuf [dreg:s22], $0x2FFFF;
	_ =	strace $0x9FFFFFFF  }
0xd1: {  	(tm) =	ssettm $0x7FFFFFFF  }
tec
execute0_lowered:
.L_overlay_start_1:
0x0: {  	(tag) =	ssettag $0x1  }
0x1: {  	s0 =	rddreg [dreg:$0x0]  }
0x2: {  	s2 =	rddreg [dreg:$0x1];
	s9 =	stileid.u32  }
0x3: {  	s1 =	srdreg.scid;
	s3 =	simm.s32 $0x0;
	s15 =	simm.s32 $0x9  }
0x4: {  	s28 =	simm.s32 $0x3;
	s29 =	simm.s32 $0x4;
	s5 =	smul.u32 $0x4E200, s9  }
0x5: {  	s30 =	simm.s32 $0x0;
	s1 =	sand.u32 $0x1, s1;
	s17 =	smul.u32 $0x4E20, s9  }
0x6: {  	s4 =	sshll.u32 s9, $0x1;
	[smem:$0x7FF] =	sst s3;
	s7 =	smul.u32 $0x27100, s1  }
0x7: {  	s4 =	sor.u32 s1, s4;
	s8 =	ssub.s32 $0x2, s1;
	s1 =	smul.u32 $0x2710, s1  }
0x8: {  	_ =	strace $0x8000004A;
	s6 =	smul.u32 $0x2710, s4;
	s18 =	sshrl.u32 s8, $0x1  }
0x9: {  	s4 =	sadd.s32 $0xCFE00, s0;
	s0 =	sadd.s32 s5, s0;
	s8 =	ssub.s32 s8, s18  }
0xa: {  	s0 =	sadd.s32 s7, s0;
	s16 =	sshrl.u32 s6, $0x3;
	s6 =	sadd.s32 s1, s17  }
0xb: {  	s21 =	smax.u32 s8, $0x1;
	s10 =	sadd.s32 $0x58AC00, s0;
	s17 =	simm.s32 $0x200  }
0xc: {  	s5 =	sadd.s32 s4, s16;
	[dreg:$0x7] =	wrdreg s21;
	s22 =	sadd.s32 $0x230, s6  }
0xd: {  	s23 =	sadd.s32 $0x1E0, s6;
	s24 =	sadd.s32 $0x190, s6;
	s31 =	sadd.s32 $0x140, s6  }
0xe: {  	s16 =	simm.s32 $0x50;
	s21 =	simm.s32 $0x5200;
	s19 =	sadd.s32 $0xA, s5  }
0xf: {  	s20 =	sadd.s32 $0x14, s5;
	[dreg:$0x3] =	wrdreg s5;
	s5 =	sadd.s32 $0x1E, s5  }
0x10: {  	s0 =	sshrl.u32 s22, $0x3;
	s25 =	sshrl.u32 s23, $0x3;
	[dreg:$0xb] =	wrdreg s31  }
0x11: {  	s7 =	sshrl.u32 s24, $0x3;
	s22 =	simm.s32 $0x180;
	[dreg:$0x4] =	wrdreg s19  }
.Ltmp0:
0x12: {  	s23 =	simm.s32 $0x7A00;
	[dreg:$0x5] =	wrdreg s20;
	(pc) =	sbr.rel .LBB2_1-.Ltmp0, $4  }
0x13: {  	s24 =	simm.s32 $0x1;
	[dreg:$0x6] =	wrdreg s5;
	s0 =	sadd.s32 s0, s4  }
0x14: {  	s26 =	sadd.s32 s7, s4;
	s19 =	simm.s32 $0x2A00;
	[dreg:$0x8] =	wrdreg s0  }
0x15: {  	s20 =	simm.s32 $0x100;
	s0 =	sadd.s32 s25, s4;
	[dreg:$0xa] =	wrdreg s26  }
0x16: {  	s25 =	simm.s32 $0x5;
	s26 =	simm.s32 $0x2;
	[dreg:$0x9] =	wrdreg s0  }
.LBB2_3:
0x17: {  	_ =	swait.ge [sflag:s25], $0x2800  }
0x18: {  	[sflag:s25] =	ssyncset.done $0x0  }
0x19: {  	[sflag:s25] =	ssyncadd.s32 $0xFFFFD800  }
.LBB2_7:
0x1a: {  	s30 =	sadd.s32 $0x1, s30;
	s0 =	rddreg [dreg:$0x7]  }
0x1b: {  	p0 =	sne.s32 s30, s0  }
.Ltmp1:
0x1c: {  	_ = 	snop;
	(pc) =	sbr.rel @!p0 .LBB2_8-.Ltmp1, $1  }
0x1d: {  	_ =	sdelay $0x3  }
.LBB2_1:
0x1e: {  	s0 =	rddreg [dreg:$0x3]  }
0x1f: {  	[tilespmem:s3], [sflag:$0x9] =	stream.linear.gather [hbm4b:s0+s3], $0x50, $0x38;
	[tilespmem:$0xA200] =	vst v63  }
0x20: {  	_ =	swait.ge [sflag:s15], $0x50  }
0x21: {  	[sflag:s15] =	ssyncset.done $0x0  }
0x22: {  	[sflag:s15] =	ssyncadd.s32 $0xFFFFFFB0  }
0x23: {  	[tilespmem:s17], [sflag:$0x1] =	stream.indirect.gather [hbm4b:s2+s16], $0x80, s3, s16, $0xb8;
	[tilespmem:$0xA200] =	vst v63  }
0x24: {  	s1 =	simm.s32 $0x80;
	s13 =	rddreg [dreg:$0x4]  }
0x25: {  	[tilespmem:s1], [sflag:$0x9] =	stream.linear.gather [hbm4b:s13+s3], $0x50, $0x38;
	[tilespmem:$0xA200] =	vst v63  }
0x26: {  	_ =	swait.ge [sflag:s15], $0x50  }
0x27: {  	[sflag:s15] =	ssyncset.done $0x0  }
0x28: {  	[sflag:s15] =	ssyncadd.s32 $0xFFFFFFB0  }
0x29: {  	[tilespmem:s19], [sflag:$0x2] =	stream.indirect.gather [hbm4b:s2+s16], $0x80, s1, s16, $0xb8;
	[tilespmem:$0xA200] =	vst v63  }
0x2a: {  	s14 =	rddreg [dreg:$0x5]  }
0x2b: {  	[tilespmem:s20], [sflag:$0x9] =	stream.linear.gather [hbm4b:s14+s3], $0x50, $0x38;
	[tilespmem:$0xA200] =	vst v63  }
0x2c: {  	_ =	swait.ge [sflag:s15], $0x50  }
0x2d: {  	[sflag:s15] =	ssyncset.done $0x0  }
0x2e: {  	[sflag:s15] =	ssyncadd.s32 $0xFFFFFFB0  }
0x2f: {  	[tilespmem:s21], [sflag:$0x3] =	stream.indirect.gather [hbm4b:s2+s16], $0x80, s20, s16, $0xb8;
	[tilespmem:$0xA200] =	vst v63  }
0x30: {  	s18 =	rddreg [dreg:$0x6]  }
0x31: {  	[tilespmem:s22], [sflag:$0x9] =	stream.linear.gather [hbm4b:s18+s3], $0x50, $0x38;
	[tilespmem:$0xA200] =	vst v63  }
0x32: {  	_ =	swait.ge [sflag:s15], $0x50  }
.Ltmp2:
0x33: {  	s31 =	rddreg [dreg:$0xb];
	(pc) =	sbr.rel .LBB2_2-.Ltmp2, $4  }
0x34: {  	s7 =	simm.s32 $0x1;
	s13 =	rddreg [dreg:$0xa]  }
0x35: {  	s8 =	simm.s32 $0x0;
	[sflag:s15] =	ssyncset.done $0x0;
	s12 =	rddreg [dreg:$0x9]  }
0x36: {  	s9 =	simm.s32 $0x0;
	s11 =	rddreg [dreg:$0x8];
	[sflag:s15] =	ssyncadd.s32 $0xFFFFFFB0  }
0x37: {  	[tilespmem:s23], [sflag:$0x4] =	stream.indirect.gather [hbm4b:s2+s16], $0x80, s22, s16, $0xb8;
	[tilespmem:$0xA200] =	vst v63  }
.LBB2_6:
0x38: {  	s8 =	sadd.s32 $0x1400, s8  }
0x39: {  	p0 =	sne.s32 s8, $0x28000  }
.Ltmp3:
0x3a: {  	_ = 	snop;
	(pc) =	sbr.rel @!p0 .LBB2_7-.Ltmp3, $3  }
0x3b: {  	_ =	sdelay $0x1  }
0x3c: {  	s9 =	sadd.s32 $0x1, s9;
	s7 =	sadd.s32 $0x4, s7;
	s11 =	sadd.s32 $0x28, s11  }
0x3d: {  	s12 =	sadd.s32 $0x28, s12;
	s13 =	sadd.s32 $0x28, s13;
	s31 =	sadd.s32 $0x140, s31  }
.LBB2_2:
0x3e: {  	p0 =	sne.s32 s8, $0x26C00  }
.Ltmp4:
0x3f: {  	_ = 	snop;
	(pc) =	sbr.rel @!p0 .LBB2_3-.Ltmp4, $4  }
0x40: {  	_ =	swait.ge [sflag:s24], $0x2800  }
0x41: {  	[sflag:s24] =	ssyncset.done $0x0  }
0x42: {  	s6 =	sadd.s32 s8, s10;
	[sflag:s24] =	ssyncadd.s32 $0xFFFFD800  }
0x43: {  	[hbm4b:s6+s3] =	stream.linear.scatter [tilespmem:s17], [sflag:$0x5], $0x2800, $0x38;
	[tilespmem:$0xA200] =	vst v63  }
0x44: {  	s5 =	sshrl.u32 s31, $0x3  }
0x45: {  	s5 =	sadd.s32 s4, s5  }
0x46: {  	[tilespmem:s3], [sflag:$0x9] =	stream.linear.gather [hbm4b:s5+s3], $0x50, $0x38;
	[tilespmem:$0xA200] =	vst v63  }
0x47: {  	_ =	swait.ge [sflag:s15], $0x50  }
0x48: {  	p0 =	sgt.u32 s7, $0x7C;
	[sflag:s15] =	ssyncset.done $0x0  }
.Ltmp5:
0x49: {  	[sflag:s15] =	ssyncadd.s32 $0xFFFFFFB0;
	(pc) =	sbr.rel @p0 .LBB2_6-.Ltmp5, $4  }
0x4a: {  	_ =	swait.ge [sflag:s25], $0x2800  }
0x4b: {  	[sflag:s25] =	ssyncset.done $0x0  }
0x4c: {  	[sflag:s25] =	ssyncadd.s32 $0xFFFFD800  }
0x4d: {  	[tilespmem:s17], [sflag:$0x1] =	stream.indirect.gather [hbm4b:s2+s16], $0x80, s3, s16, $0xb8;
	[tilespmem:$0xA200] =	vst v63  }
0x4e: {  	_ =	swait.ge [sflag:s26], $0x2800  }
0x4f: {  	[sflag:s26] =	ssyncset.done $0x0  }
0x50: {  	s5 =	sadd.s32 $0x500, s6;
	p0 =	sgt.u32 s9, $0x1D;
	[sflag:s26] =	ssyncadd.s32 $0xFFFFD800  }
0x51: {  	[hbm4b:s5+s3] =	stream.linear.scatter [tilespmem:s19], [sflag:$0x6], $0x2800, $0x38;
	[tilespmem:$0xA200] =	vst v63  }
0x52: {  	s5 =	simm.s32 @p0 $0x6  }
0x53: {  	_ =	swait.ge @p0 [sflag:s5], $0x2800  }
0x54: {  	s1 =	simm.s32 @!p0 $0x80;
	[sflag:s5] =	ssyncset.done @p0 $0x0  }
0x55: {  	s0 =	simm.s32 @!p0 $0x9;
	[sflag:s5] =	ssyncadd.s32 @p0 $0xFFFFD800;
	s5 =	simm.s32 @!p0 $0x0  }
0x56: {  	[tilespmem:s1], [sflag:$0x9] =	stream.linear.gather @!p0 [hbm4b:s13+s5], $0x50, $0x38;
	[tilespmem:$0xA200] =	vst v63  }
0x57: {  	_ =	swait.ge @!p0 [sflag:s0], $0x50  }
0x58: {  	[sflag:s0] =	ssyncset.done @!p0 $0x0  }
0x59: {  	s18 =	simm.s32 @!p0 $0x6;
	[sflag:s0] =	ssyncadd.s32 @!p0 $0xFFFFFFB0  }
0x5a: {  	_ =	swait.ge @!p0 [sflag:s18], $0x2800  }
0x5b: {  	[sflag:s18] =	ssyncset.done @!p0 $0x0  }
0x5c: {  	s14 =	simm.s32 @!p0 $0x2A00;
	[sflag:s18] =	ssyncadd.s32 @!p0 $0xFFFFD800;
	s18 =	simm.s32 @!p0 $0x50  }
0x5d: {  	[tilespmem:s14], [sflag:$0x2] =	stream.indirect.gather @!p0 [hbm4b:s2+s18], $0x80, s1, s18, $0xb8;
	[tilespmem:$0xA200] =	vst v63  }
0x5e: {  	_ =	swait.ge [sflag:s28], $0x2800  }
0x5f: {  	[sflag:s28] =	ssyncset.done $0x0  }
0x60: {  	s14 =	sadd.s32 $0xA00, s6;
	s1 =	simm.s32 @p0 $0x7;
	[sflag:s28] =	ssyncadd.s32 $0xFFFFD800  }
0x61: {  	[hbm4b:s14+s3] =	stream.linear.scatter [tilespmem:s21], [sflag:$0x7], $0x2800, $0x38;
	[tilespmem:$0xA200] =	vst v63  }
0x62: {  	_ =	swait.ge @p0 [sflag:s1], $0x2800  }
0x63: {  	[sflag:s1] =	ssyncset.done @p0 $0x0  }
0x64: {  	[sflag:s1] =	ssyncadd.s32 @p0 $0xFFFFD800;
	s1 =	simm.s32 @!p0 $0x100  }
0x65: {  	[tilespmem:s1], [sflag:$0x9] =	stream.linear.gather @!p0 [hbm4b:s12+s5], $0x50, $0x38;
	[tilespmem:$0xA200] =	vst v63  }
0x66: {  	_ =	swait.ge @!p0 [sflag:s0], $0x50  }
0x67: {  	[sflag:s0] =	ssyncset.done @!p0 $0x0  }
0x68: {  	s14 =	simm.s32 @!p0 $0x7;
	[sflag:s0] =	ssyncadd.s32 @!p0 $0xFFFFFFB0  }
0x69: {  	_ =	swait.ge @!p0 [sflag:s14], $0x2800  }
0x6a: {  	[sflag:s14] =	ssyncset.done @!p0 $0x0  }
0x6b: {  	[sflag:s14] =	ssyncadd.s32 @!p0 $0xFFFFD800;
	s14 =	simm.s32 @!p0 $0x5200  }
0x6c: {  	[tilespmem:s14], [sflag:$0x3] =	stream.indirect.gather @!p0 [hbm4b:s2+s18], $0x80, s1, s18, $0xb8;
	[tilespmem:$0xA200] =	vst v63  }
0x6d: {  	_ =	swait.ge [sflag:s29], $0x2800  }
0x6e: {  	[sflag:s29] =	ssyncset.done $0x0  }
0x6f: {  	s14 =	sadd.s32 $0xF00, s6;
	s1 =	simm.s32 @p0 $0x8;
	[sflag:s29] =	ssyncadd.s32 $0xFFFFD800  }
0x70: {  	[hbm4b:s14+s3] =	stream.linear.scatter [tilespmem:s23], [sflag:$0x8], $0x2800, $0x38;
	[tilespmem:$0xA200] =	vst v63  }
0x71: {  	_ =	swait.ge @p0 [sflag:s1], $0x2800  }
0x72: {  	[sflag:s1] =	ssyncset.done @p0 $0x0  }
0x73: {  	[sflag:s1] =	ssyncadd.s32 @p0 $0xFFFFD800;
	s1 =	simm.s32 @!p0 $0x180  }
0x74: {  	[tilespmem:s1], [sflag:$0x9] =	stream.linear.gather @!p0 [hbm4b:s11+s5], $0x50, $0x38;
	[tilespmem:$0xA200] =	vst v63  }
0x75: {  	_ =	swait.ge @!p0 [sflag:s0], $0x50  }
0x76: {  	[sflag:s0] =	ssyncset.done @!p0 $0x0  }
.Ltmp6:
0x77: {  	[sflag:s0] =	ssyncadd.s32 @!p0 $0xFFFFFFB0;
	s0 =	simm.s32 @!p0 $0x8;
	(pc) =	sbr.rel .LBB2_6-.Ltmp6, $4  }
0x78: {  	_ =	swait.ge @!p0 [sflag:s0], $0x2800  }
0x79: {  	[sflag:s0] =	ssyncset.done @!p0 $0x0  }
0x7a: {  	[sflag:s0] =	ssyncadd.s32 @!p0 $0xFFFFD800;
	s0 =	simm.s32 @!p0 $0x7A00  }
0x7b: {  	[tilespmem:s0], [sflag:$0x4] =	stream.indirect.gather @!p0 [hbm4b:s2+s18], $0x80, s1, s18, $0xb8;
	[tilespmem:$0xA200] =	vst v63  }
.LBB2_8:
0x7c: {  	_ =	sfence.sel $0x180000  }
0x7d: {  	[bflag:$0x0] =	sbarrier.arrive $0xFFFF  }
0x7e: {  	_ =	strace $0x9000004A  }
0x7f: {  	s0 =	stileid.u32;
	[bflag:$0x2] =	sbarrier.arrive $0xFFFF  }
0x80: {  	p0 =	sne.s32 s0, $0x0;
	s0 =	rddreg [dreg:$0x2]  }
0x81: {  	s0 =	sadd.s32 @!p0 $0x100000, s0  }
0x82: {  	[sflag:s0] =	ssyncadd.tile.s32 @!p0 $0x1;
	_ =	shalt  }
.Lfunc_end2:
_tile_overlayer_lowered:
.L_overlay_start_2:
0x83: {  	(tag) =	ssettag $0x2  }
0x84: {  	s0 =	rddreg [dreg:$0x0];
	s2 =	stileid.u32  }
0x85: {  	s1 =	rddreg [dreg:$0x1];
	p0 =	sne.s32 s2, $0x0  }
0x86: {  	s3 =	rddreg [dreg:$0x2];
	[bflag:$0x3] =	sbarrier.arrive $0xFFFF;
	s2 =	simm.s32 @!p0 $0x1C09  }
0x87: {  	[timem:s3], [sflag:s2] =	dma.local @!p0 [hbm:s0], s1  }
0x88: {  	s0 =	simm.s32 @!p0 $0x9  }
0x89: {  	_ =	swait.ge @!p0 [sflag:s0], s1  }
0x8a: {  	s1 =	ssub.s32 @!p0 $0x0, s1;
	[sflag:s0] =	ssyncset.done @!p0 $0x0  }
0x8b: {  	[sflag:s0] =	ssyncadd.s32 @!p0 s1  }
0x8c: {  	[bflag:$0x3] =	sbarrier.arrive $0xFFFF  }
0x8d: {  	_ =	shalt  }

// kernel: kernel.9.cloned.1.call-start
scs
__scs_entry_jumppad:
0x0: {  	(pc) =	sbr.rel $0x88, $3  }
0x1: {  	(tag) =	ssettag $0x0;
	lr =	simm.s32 $0x1  }
0x2: {  	[smem:$0x3F96] =	sst lr;
	_ =	strace $0xD0000000  }
0x3: {  	_ = 	snop  }
0x4: {  	_ = 	snop  }
0x5: {  	_ = 	snop  }
0x6: {  	_ = 	snop  }
0x7: {  	_ = 	snop  }
__scs_overlays_trampoline_lowered:
0x8: {  	[smem:$0x3FA5] =	sst s0  }
0x9: {  	[smem:$0x3FA6] =	sst s1  }
0xa: {  	[smem:$0x3FA7] =	sst s2  }
0xb: {  	[smem:$0x3FA8] =	sst s3  }
0xc: {  	[smem:$0x3FA9] =	sst s4  }
0xd: {  	[smem:$0x3FAA] =	sst s5  }
0xe: {  	[smem:$0x3FAB] =	sst s6  }
0xf: {  	[smem:$0x3FAC] =	sst s7  }
0x10: {  	[smem:$0x3FAD] =	sst s8  }
0x11: {  	[smem:$0x3FAE] =	sst s9;
	s0 =	simm.s32 @!p0 $0x0  }
0x12: {  	s1 =	sld [smem:$0x3F94];
	s0 =	simm.s32 @p0 $0x1  }
0x13: {  	[smem:$0x3FAF] =	sst s0;
	s0 =	simm.s32 @!p1 $0x0  }
0x14: {  	s2 =	sld [smem:$0x3F93];
	s0 =	simm.s32 @p1 $0x1  }
0x15: {  	[smem:$0x3FB0] =	sst s0;
	s0 =	simm.s32 @!p2 $0x0  }
0x16: {  	s3 =	sld [smem:$0x3FDB];
	s0 =	simm.s32 @p2 $0x1  }
0x17: {  	s4 =	simm.s32 $0x1BF5;
	[smem:$0x3FB2] =	sst s0  }
0x18: {  	s0 =	sld [smem:$0x3F95];
	_ =	swait.ge [sflag:s4], $0x0  }
0x19: {  	s7 =	sld [smem:$0x3F96]  }
0x1a: {  	s8 =	sadd.s32 $0xFFFFE003, lr  }
0x1b: {  	s9 =	sadd.s32 $0xFFFFFEF7, lr;
	s5 =	simm.s32 $0xFFFFFFFF;
	p2 =	slt.u32 s8, $0xFFFFF086  }
0x1c: {  	p1 =	slt.u32 s9, $0xF7A;
	s5 =	simm.s32 @!p2 $0x0  }
0x1d: {  	s5 =	simm.s32 @p1 $0x1;
	p0 =	seq.s32 s7, s2  }
0x1e: {  	s7 =	smul.u32 @!p0 $0xF7A, s2;
	p2 =	seq.s32 @!p0 s5, $0x0  }
0x1f: {  	s9 =	smul.u32 $0xF7A, s1;
	s8 =	simm.s32 @!p0 $0x1BF5;
	p2 =	por !p2, p0  }
0x20: {  	[sflag:s8] =	ssyncset.s32 @!p0 $0xFFFFF086;
	s6 =	sadd.s32 @!p0 s3, s7;
	s7 =	simm.s32 @!p0 $0x108  }
0x21: {  	s3 =	sadd.s32 s3, s9;
	s6 =	sadd.s32 @!p0 $0x88, s6;
	s7 =	simm.s32 @p2 $0x1082  }
0x22: {  	[simem:s7], [sflag:s8] =	dma.local @!p0 [hbm:s6], $0xF7A  }
0x23: {  	s9 =	sor.u32 $0xD0000000, s2;
	s6 =	simm.s32 $0x108;
	_ =	swait.ge @!p0 [sflag:s8], $0x0  }
0x24: {  	s3 =	sadd.s32 $0x88, s3;
	s6 =	simm.s32 @!p1 $0x1082;
	[sflag:s4] =	ssyncset.s32 $0xFFFFF086  }
0x25: {  	[simem:s6], [sflag:s4] =	dma.local [hbm:s3], $0xF7A  }
0x26: {  	[smem:$0x3F96] =	sst s1;
	(tag) =	ssettag s2;
	_ =	strace s9  }
0x27: {  	s1 =	sld [smem:$0x3FA6]  }
0x28: {  	s2 =	sld [smem:$0x3FA7]  }
0x29: {  	s4 =	sld [smem:$0x3FA9]  }
0x2a: {  	p0 =	seq.s32 s5, $0x0;
	s5 =	sld [smem:$0x3FAA]  }
0x2b: {  	s6 =	sld [smem:$0x3FAB]  }
0x2c: {  	s7 =	sld [smem:$0x3FAC]  }
0x2d: {  	s3 =	simm.s32 $0x108;
	s8 =	sld [smem:$0x3FAD]  }
0x2e: {  	s3 =	simm.s32 @!p0 $0x1082;
	s9 =	sld [smem:$0x3FAE]  }
0x2f: {  	lr =	sadd.s32 s0, s3;
	s0 =	sld [smem:$0x3FA5]  }
0x30: {  	s3 =	sld [smem:$0x3FA8]  }
0x31: {  	[smem:$0x3FB1] =	sst s10  }
0x32: {  	s10 =	sld [smem:$0x3FAF];
	_ =	sdelay $0x3  }
0x33: {  	p0 =	seq.s32 s10, $0x1;
	s10 =	sld [smem:$0x3FB1];
	_ =	sdelay $0x3  }
0x34: {  	[smem:$0x3FB1] =	sst s10  }
0x35: {  	s10 =	sld [smem:$0x3FB0];
	_ =	sdelay $0x3  }
0x36: {  	p1 =	seq.s32 s10, $0x1;
	s10 =	sld [smem:$0x3FB1];
	_ =	sdelay $0x3  }
0x37: {  	[smem:$0x3FB1] =	sst s10  }
0x38: {  	s10 =	sld [smem:$0x3FB2]  }
0x39: {  	_ = 	snop;
	(pc) =	sbr.ind lr, $3  }
0x3a: {  	_ = 	snop  }
0x3b: {  	_ = 	snop  }
0x3c: {  	p2 =	seq.s32 s10, $0x1;
	s10 =	sld [smem:$0x3FB1]  }
0x3d: {  	_ =	shalt  }
0x3e: {  	_ =	shalt  }
0x3f: {  	_ =	shalt  }
0x40: {  	_ =	shalt  }
0x41: {  	_ =	shalt  }
0x42: {  	_ =	shalt  }
0x43: {  	_ =	shalt  }
0x44: {  	_ =	shalt  }
0x45: {  	_ =	shalt  }
0x46: {  	_ =	shalt  }
0x47: {  	_ =	shalt  }
0x48: {  	_ =	shalt  }
0x49: {  	_ =	shalt  }
0x4a: {  	_ =	shalt  }
0x4b: {  	_ =	shalt  }
0x4c: {  	_ =	shalt  }
0x4d: {  	_ =	shalt  }
0x4e: {  	_ =	shalt  }
0x4f: {  	_ =	shalt  }
0x50: {  	_ =	shalt  }
0x51: {  	_ =	shalt  }
0x52: {  	_ =	shalt  }
0x53: {  	_ =	shalt  }
0x54: {  	_ =	shalt  }
0x55: {  	_ =	shalt  }
0x56: {  	_ =	shalt  }
0x57: {  	_ =	shalt  }
0x58: {  	_ =	shalt  }
0x59: {  	_ =	shalt  }
0x5a: {  	_ =	shalt  }
0x5b: {  	_ =	shalt  }
0x5c: {  	_ =	shalt  }
0x5d: {  	_ =	shalt  }
0x5e: {  	_ =	shalt  }
0x5f: {  	_ =	shalt  }
0x60: {  	_ =	shalt  }
0x61: {  	_ =	shalt  }
0x62: {  	_ =	shalt  }
0x63: {  	_ =	shalt  }
0x64: {  	_ =	shalt  }
0x65: {  	_ =	shalt  }
0x66: {  	_ =	shalt  }
0x67: {  	_ =	shalt  }
0x68: {  	_ =	shalt  }
0x69: {  	_ =	shalt  }
0x6a: {  	_ =	shalt  }
0x6b: {  	_ =	shalt  }
0x6c: {  	_ =	shalt  }
0x6d: {  	_ =	shalt  }
0x6e: {  	_ =	shalt  }
0x6f: {  	_ =	shalt  }
0x70: {  	_ =	shalt  }
0x71: {  	_ =	shalt  }
0x72: {  	_ =	shalt  }
0x73: {  	_ =	shalt  }
0x74: {  	_ =	shalt  }
0x75: {  	_ =	shalt  }
0x76: {  	_ =	shalt  }
0x77: {  	_ =	shalt  }
0x78: {  	_ =	shalt  }
0x79: {  	_ =	shalt  }
0x7a: {  	_ =	shalt  }
0x7b: {  	_ =	shalt  }
0x7c: {  	_ =	shalt  }
0x7d: {  	_ =	shalt  }
0x7e: {  	_ =	shalt  }
0x7f: {  	_ =	shalt  }
0x80: {  	_ =	shalt  }
0x81: {  	_ =	shalt  }
0x82: {  	_ =	shalt  }
0x83: {  	_ =	shalt  }
0x84: {  	_ =	shalt  }
0x85: {  	_ =	shalt  }
0x86: {  	_ =	shalt  }
0x87: {  	_ =	shalt  }
.Lfunc_end0:
.L_simem_size_0:
called_computation.1_lowered:
.L_overlay_start_0:
0x88: {  	s2 =	sld [smem:$0x3FD9]  }
0x89: {  	s3 =	sld [smem:$0x3FFE];
	_ =	sdelay $0x1  }
0x8a: {  	s1 =	srdreg.scid  }
0x8b: {  	s0 =	sand.u32 $0x1, s1  }
0x8c: {  	s16 =	sshll.u32 s0, $0xA;
	s2 =	sadd.s32 s3, s2  }
0x8d: {  	s2 =	sadd.s32 s2, s16  }
0x8e: {  	[smem:$0x3FBD] =	sst s2  }
0x8f: {  	_ = 	snop  }
0x90: {  	(tm) =	ssettm $0x1  }
0x91: {  	s17 =	sld [smem:$0x3FFB];
	_ =	sdelay $0x3  }
0x92: {  	_ =	strace s17  }
0x93: {  	s2 =	sld [smem:$0x3FFC];
	_ =	sdelay $0x3  }
0x94: {  	_ =	strace s2  }
0x95: {  	s2 =	sld [smem:$0x3FFD];
	_ =	sdelay $0x3  }
0x96: {  	_ =	strace s2  }
0x97: {  	_ =	strace $0x8FFFFFFF  }
0x98: {  	s18 =	sld [smem:$0x3FDB];
	_ =	sdelay $0x1  }
0x99: {  	s19 =	simm.s32 $_scs_section_size  }
0x9a: {  	s4 =	simm.s32 $_size__tile_overlayer_lowered;
	s5 =	simm.s32 $_tile_overlayer_lowered  }
0x9b: {  	s22 =	simm.s32 $0x1BFF;
	s21 =	sshll.u32 s5, $0x1;
	s2 =	sadd.s32 s19, s18  }
0x9c: {  	s6 =	simm.s32 $0x0;
	s20 =	sshll.u32 s4, $0x1;
	s4 =	sadd.s32 s21, s2  }
0x9d: {  	[timem:s6], [sflag:s22] =	dma.local [hbm:s4], s20  }
0x9e: {  	_ =	swait.ge [sflag:s22], s20  }
0x9f: {  	s3 =	ssub.s32 $0x0, s20;
	[sflag:s22] =	ssyncset.done $0x0  }
0xa0: {  	[sflag:s22] =	ssyncadd.s32 s3;
	_ =	sdelay $0x1  }
0xa1: {  	s23 =	simm.s32 $0x1B8B  }
0xa2: {  	_ =	swait.ge [sflag:s23], $0x1  }
0xa3: {  	[sflag:s23] =	ssyncset.done $0x0  }
0xa4: {  	s25 =	simm.s32 $0x1B8E;
	s24 =	sld [smem:$0x3FFE];
	[sflag:s23] =	ssyncadd.s32 $0xFFFFFFFF  }
0xa5: {  	s26 =	simm.s32 $execute0_lowered;
	[smem:$0x3FD2] =	sst s25  }
0xa6: {  	s4 =	sshll.u32 s26, $0x1;
	_ =	strace $0x80000046;
	[dreg:$0x1] =	wrdreg $0xFFFFFFFF  }
0xa7: {  	s28 =	simm.s32 $_size_execute0_lowered;
	s2 =	sadd.s32 s2, s4;
	[dreg:$0x0] =	wrdreg $0x0  }
0xa8: {  	s4 =	sshll.u32 s28, $0x1;
	[dreg:$0x2] =	wrdreg s2  }
0xa9: {  	[dreg:$0x3] =	wrdreg s4  }
0xaa: {  	[dreg:$0x4] =	wrdreg $0xC0  }
0xab: {  	_ =	task [dreg:s6], $0x5FFFF  }
0xac: {  	[dreg:$0x1] =	wrdreg $0xFFFFFFFF  }
0xad: {  	[dreg:$0x0] =	wrdreg $0x60  }
0xae: {  	[dreg:$0x2] =	wrdreg s24  }
0xaf: {  	[dreg:$0x3] =	wrdreg $0xA  }
0xb0: {  	_ =	task.clear_ibuf [dreg:s6], $0x4FFFF;
	_ =	strace $0x90000046  }
0xb1: {  	s29 =	simm.s32 $0xA;
	_ =	strace $0x80000048  }
0xb2: {  	_ =	swait.ge [sflag:s29], $0x1  }
0xb3: {  	[sflag:s29] =	ssyncadd.s32 $0xFFFFFFFF  }
0xb4: {  	_ =	strace $0x90000048  }
0xb5: {  	_ =	sfence  }
0xb6: {  	s30 =	sld [smem:$0x0];
	_ =	sdelay $0x2  }
0xb7: {  	s31 =	sshll.u32 s1, $0xD;
	s1 =	sshrl.u32 s1, $0x2  }
0xb8: {  	s3 =	sand.u32 $0x4000, s31;
	s1 =	sadd.s32 s1, s30  }
0xb9: {  	s0 =	sor.u32 s3, s0;
	s1 =	sshll.u32 s1, $0x11  }
0xba: {  	s0 =	sor.u32 s1, s0  }
0xbb: {  	s0 =	sadd.s32 $0x8F2B, s0  }
0xbc: {  	[sflag:s0] =	ssyncadd.remote.s32 $0x1  }
0xbd: {  	_ =	sfence.sel $0xFFFF  }
0xbe: {  	[dreg:$0x0] =	wrdreg $0xFFFFFFFF;
	(pc) =	sbr.abs _section_cstart, $3  }
0xbf: {  	[dreg:$0x1] =	wrdreg $0xFFFFFFFF  }
0xc0: {  	_ =	task.clear_ibuf [dreg:s6], $0x2FFFF;
	_ =	strace $0x9FFFFFFF  }
0xc1: {  	(tm) =	ssettm $0x7FFFFFFF  }
tec
execute0_lowered:
.L_overlay_start_1:
0x0: {  	(tag) =	ssettag $0x1  }
0x1: {  	s0 =	rddreg [dreg:$0x0]  }
0x2: {  	s1 =	srdreg.scid;
	s13 =	stileid.u32  }
0x3: {  	s2 =	simm.s32 $0x0;
	s28 =	simm.s32 $0x5;
	s29 =	simm.s32 $0x2  }
0x4: {  	s30 =	simm.s32 $0x3;
	s31 =	simm.s32 $0x4;
	s6 =	smul.u32 $0x4E20, s13  }
0x5: {  	s1 =	sand.u32 $0x1, s1;
	s3 =	sshll.u32 s13, $0x1;
	s22 =	smul.u32 $0x9C40, s13  }
0x6: {  	[smem:$0x7FF] =	sst s2;
	s4 =	sadd.s32 $0x4EE800, s0;
	s8 =	smul.u32 $0x2710, s1  }
0x7: {  	s3 =	sor.u32 s1, s3;
	_ =	strace $0x80000047;
	s24 =	smul.u32 $0x4E20, s1  }
0x8: {  	s7 =	ssub.s32 $0x2, s1;
	s5 =	smul.u32 $0x2710, s3;
	s3 =	sadd.s32 $0x2A00, s0  }
0x9: {  	s0 =	sadd.s32 $0xC800, s0;
	s9 =	sshrl.u32 s7, $0x1;
	s8 =	sadd.s32 s8, s6  }
0xa: {  	s11 =	ssub.s32 s7, s9;
	s5 =	sshrl.u32 s5, $0x3;
	s16 =	sshll.u32 s8, $0x1  }
0xb: {  	s18 =	sadd.s32 $0x230, s8;
	s20 =	sadd.s32 $0x1E0, s8;
	s21 =	sadd.s32 $0x190, s8  }
0xc: {  	s26 =	sadd.s32 $0x140, s8;
	s10 =	sadd.s32 s3, s5;
	s5 =	smax.u32 s11, $0x1  }
0xd: {  	s17 =	sadd.s32 s0, s16;
	s6 =	sshrl.u32 s18, $0x3;
	s23 =	sshrl.u32 s21, $0x3  }
0xe: {  	[dreg:$0xa] =	wrdreg s26;
	s0 =	sadd.s32 s22, s0;
	s18 =	simm.s32 $0x9  }
0xf: {  	s21 =	simm.s32 $0x640;
	s26 =	simm.s32 $0x1;
	s12 =	sadd.s32 $0xA, s10  }
0x10: {  	s14 =	sadd.s32 $0x14, s10;
	[dreg:$0x2] =	wrdreg s10;
	s15 =	sadd.s32 $0x1E, s10  }
0x11: {  	[dreg:$0x6] =	wrdreg s5;
	s10 =	sadd.s32 $0xA0, s17;
	s11 =	sadd.s32 $0x1E0, s17  }
0x12: {  	s19 =	sadd.s32 s6, s3;
	s5 =	sshrl.u32 s20, $0x3;
	[dreg:$0x3] =	wrdreg s12  }
.Ltmp0:
0x13: {  	s25 =	sadd.s32 s23, s3;
	[dreg:$0x4] =	wrdreg s14;
	(pc) =	sbr.rel .LBB2_1-.Ltmp0, $4  }
0x14: {  	s20 =	simm.s32 $0x140;
	s23 =	simm.s32 $0xB40;
	[dreg:$0x5] =	wrdreg s15  }
0x15: {  	s12 =	sadd.s32 $0x140, s17;
	[dreg:$0x7] =	wrdreg s19;
	s5 =	sadd.s32 s5, s3  }
0x16: {  	[dreg:$0x9] =	wrdreg s25;
	s17 =	sadd.s32 s24, s0;
	s19 =	simm.s32 $0x50  }
0x17: {  	s25 =	simm.s32 $0x1040;
	s0 =	simm.s32 $0x0;
	[dreg:$0x8] =	wrdreg s5  }
.LBB2_3:
0x18: {  	_ =	swait.ge [sflag:s28], $0x500  }
0x19: {  	[sflag:s28] =	ssyncset.done $0x0  }
0x1a: {  	[sflag:s28] =	ssyncadd.s32 $0xFFFFFB00  }
.LBB2_7:
0x1b: {  	s0 =	sadd.s32 $0x1, s0;
	s1 =	rddreg [dreg:$0x6]  }
0x1c: {  	p0 =	sne.s32 s0, s1  }
.Ltmp1:
0x1d: {  	_ = 	snop;
	(pc) =	sbr.rel @!p0 .LBB2_8-.Ltmp1, $1  }
0x1e: {  	_ =	sdelay $0x3  }
.LBB2_1:
0x1f: {  	s1 =	rddreg [dreg:$0x2]  }
0x20: {  	[tilespmem:s2], [sflag:$0x9] =	stream.linear.gather [hbm4b:s1+s2], $0x50, $0x38;
	[tilespmem:$0x1540] =	vst v63  }
0x21: {  	_ =	swait.ge [sflag:s18], $0x50  }
0x22: {  	[sflag:s18] =	ssyncset.done $0x0  }
0x23: {  	[sflag:s18] =	ssyncadd.s32 $0xFFFFFFB0  }
0x24: {  	[tilespmem:s20], [sflag:$0x1] =	stream.indirect.gather [hbm4b:s4+s19], $0x10, s2, s19, $0xb8;
	[tilespmem:$0x1540] =	vst v63  }
0x25: {  	s15 =	rddreg [dreg:$0x3]  }
0x26: {  	[tilespmem:s19], [sflag:$0x9] =	stream.linear.gather [hbm4b:s15+s2], $0x50, $0x38;
	[tilespmem:$0x1540] =	vst v63  }
0x27: {  	_ =	swait.ge [sflag:s18], $0x50  }
0x28: {  	[sflag:s18] =	ssyncset.done $0x0  }
0x29: {  	[sflag:s18] =	ssyncadd.s32 $0xFFFFFFB0  }
0x2a: {  	[tilespmem:s21], [sflag:$0x2] =	stream.indirect.gather [hbm4b:s4+s19], $0x10, s19, s19, $0xb8;
	[tilespmem:$0x1540] =	vst v63  }
0x2b: {  	s5 =	simm.s32 $0xA0;
	s16 =	rddreg [dreg:$0x4]  }
0x2c: {  	[tilespmem:s5], [sflag:$0x9] =	stream.linear.gather [hbm4b:s16+s2], $0x50, $0x38;
	[tilespmem:$0x1540] =	vst v63  }
0x2d: {  	_ =	swait.ge [sflag:s18], $0x50  }
0x2e: {  	[sflag:s18] =	ssyncset.done $0x0  }
0x2f: {  	[sflag:s18] =	ssyncadd.s32 $0xFFFFFFB0  }
0x30: {  	[tilespmem:s23], [sflag:$0x3] =	stream.indirect.gather [hbm4b:s4+s19], $0x10, s5, s19, $0xb8;
	[tilespmem:$0x1540] =	vst v63  }
0x31: {  	s24 =	simm.s32 $0xF0;
	s22 =	rddreg [dreg:$0x5]  }
0x32: {  	[tilespmem:s24], [sflag:$0x9] =	stream.linear.gather [hbm4b:s22+s2], $0x50, $0x38;
	[tilespmem:$0x1540] =	vst v63  }
0x33: {  	_ =	swait.ge [sflag:s18], $0x50  }
.Ltmp2:
0x34: {  	s16 =	rddreg [dreg:$0xa];
	(pc) =	sbr.rel .LBB2_2-.Ltmp2, $4  }
0x35: {  	s9 =	simm.s32 $0x1;
	s15 =	rddreg [dreg:$0x9]  }
0x36: {  	s8 =	simm.s32 $0x0;
	[sflag:s18] =	ssyncset.done $0x0;
	s14 =	rddreg [dreg:$0x8]  }
0x37: {  	s5 =	simm.s32 $0x0;
	s13 =	rddreg [dreg:$0x7];
	[sflag:s18] =	ssyncadd.s32 $0xFFFFFFB0  }
0x38: {  	[tilespmem:s25], [sflag:$0x4] =	stream.indirect.gather [hbm4b:s4+s19], $0x10, s24, s19, $0xb8;
	[tilespmem:$0x1540] =	vst v63  }
.LBB2_6:
0x39: {  	s8 =	sadd.s32 $0x280, s8  }
0x3a: {  	p0 =	sne.s32 s8, $0x5000  }
.Ltmp3:
0x3b: {  	_ = 	snop;
	(pc) =	sbr.rel @!p0 .LBB2_7-.Ltmp3, $3  }
0x3c: {  	_ =	sdelay $0x1  }
0x3d: {  	s5 =	sadd.s32 $0x1, s5;
	s9 =	sadd.s32 $0x4, s9;
	s13 =	sadd.s32 $0x28, s13  }
0x3e: {  	s14 =	sadd.s32 $0x28, s14;
	s15 =	sadd.s32 $0x28, s15;
	s16 =	sadd.s32 $0x140, s16  }
.LBB2_2:
0x3f: {  	p0 =	sne.s32 s8, $0x4D80  }
.Ltmp4:
0x40: {  	_ = 	snop;
	(pc) =	sbr.rel @!p0 .LBB2_3-.Ltmp4, $4  }
0x41: {  	_ =	swait.ge [sflag:s26], $0x500  }
0x42: {  	[sflag:s26] =	ssyncset.done $0x0  }
0x43: {  	s7 =	sadd.s32 s8, s17;
	[sflag:s26] =	ssyncadd.s32 $0xFFFFFB00  }
0x44: {  	[hbm4b:s7+s2] =	stream.linear.scatter [tilespmem:s20], [sflag:$0x5], $0x500, $0x38;
	[tilespmem:$0x1540] =	vst v63  }
0x45: {  	s7 =	sshrl.u32 s16, $0x3  }
0x46: {  	s7 =	sadd.s32 s3, s7  }
0x47: {  	[tilespmem:s2], [sflag:$0x9] =	stream.linear.gather [hbm4b:s7+s2], $0x50, $0x38;
	[tilespmem:$0x1540] =	vst v63  }
0x48: {  	_ =	swait.ge [sflag:s18], $0x50  }
0x49: {  	p0 =	sgt.u32 s9, $0x7C;
	[sflag:s18] =	ssyncset.done $0x0  }
.Ltmp5:
0x4a: {  	[sflag:s18] =	ssyncadd.s32 $0xFFFFFFB0;
	(pc) =	sbr.rel @p0 .LBB2_6-.Ltmp5, $4  }
0x4b: {  	_ =	swait.ge [sflag:s28], $0x500  }
0x4c: {  	[sflag:s28] =	ssyncset.done $0x0  }
0x4d: {  	[sflag:s28] =	ssyncadd.s32 $0xFFFFFB00  }
0x4e: {  	[tilespmem:s20], [sflag:$0x1] =	stream.indirect.gather [hbm4b:s4+s19], $0x10, s2, s19, $0xb8;
	[tilespmem:$0x1540] =	vst v63  }
0x4f: {  	_ =	swait.ge [sflag:s29], $0x500  }
0x50: {  	[sflag:s29] =	ssyncset.done $0x0  }
0x51: {  	s7 =	sadd.s32 s8, s10;
	p0 =	sgt.u32 s5, $0x1D;
	[sflag:s29] =	ssyncadd.s32 $0xFFFFFB00  }
0x52: {  	[hbm4b:s7+s2] =	stream.linear.scatter [tilespmem:s21], [sflag:$0x6], $0x500, $0x38;
	[tilespmem:$0x1540] =	vst v63  }
0x53: {  	s7 =	simm.s32 @p0 $0x6  }
0x54: {  	_ =	swait.ge @p0 [sflag:s7], $0x500  }
0x55: {  	s6 =	simm.s32 @!p0 $0x50;
	[sflag:s7] =	ssyncset.done @p0 $0x0  }
0x56: {  	s1 =	simm.s32 @!p0 $0x9;
	[sflag:s7] =	ssyncadd.s32 @p0 $0xFFFFFB00;
	s7 =	simm.s32 @!p0 $0x0  }
0x57: {  	[tilespmem:s6], [sflag:$0x9] =	stream.linear.gather @!p0 [hbm4b:s15+s7], $0x50, $0x38;
	[tilespmem:$0x1540] =	vst v63  }
0x58: {  	_ =	swait.ge @!p0 [sflag:s1], $0x50  }
0x59: {  	[sflag:s1] =	ssyncset.done @!p0 $0x0  }
0x5a: {  	s22 =	simm.s32 @!p0 $0x6;
	[sflag:s1] =	ssyncadd.s32 @!p0 $0xFFFFFFB0  }
0x5b: {  	_ =	swait.ge @!p0 [sflag:s22], $0x500  }
0x5c: {  	[sflag:s22] =	ssyncset.done @!p0 $0x0  }
0x5d: {  	[sflag:s22] =	ssyncadd.s32 @!p0 $0xFFFFFB00;
	s22 =	simm.s32 @!p0 $0x640  }
0x5e: {  	[tilespmem:s22], [sflag:$0x2] =	stream.indirect.gather @!p0 [hbm4b:s4+s6], $0x10, s6, s6, $0xb8;
	[tilespmem:$0x1540] =	vst v63  }
0x5f: {  	_ =	swait.ge [sflag:s30], $0x500  }
0x60: {  	[sflag:s30] =	ssyncset.done $0x0  }
0x61: {  	s24 =	sadd.s32 s8, s12;
	s22 =	simm.s32 @p0 $0x7;
	[sflag:s30] =	ssyncadd.s32 $0xFFFFFB00  }
0x62: {  	[hbm4b:s24+s2] =	stream.linear.scatter [tilespmem:s23], [sflag:$0x7], $0x500, $0x38;
	[tilespmem:$0x1540] =	vst v63  }
0x63: {  	_ =	swait.ge @p0 [sflag:s22], $0x500  }
0x64: {  	[sflag:s22] =	ssyncset.done @p0 $0x0  }
0x65: {  	[sflag:s22] =	ssyncadd.s32 @p0 $0xFFFFFB00;
	s22 =	simm.s32 @!p0 $0xA0  }
0x66: {  	[tilespmem:s22], [sflag:$0x9] =	stream.linear.gather @!p0 [hbm4b:s14+s7], $0x50, $0x38;
	[tilespmem:$0x1540] =	vst v63  }
0x67: {  	_ =	swait.ge @!p0 [sflag:s1], $0x50  }
0x68: {  	[sflag:s1] =	ssyncset.done @!p0 $0x0  }
0x69: {  	s24 =	simm.s32 @!p0 $0x7;
	[sflag:s1] =	ssyncadd.s32 @!p0 $0xFFFFFFB0  }
0x6a: {  	_ =	swait.ge @!p0 [sflag:s24], $0x500  }
0x6b: {  	[sflag:s24] =	ssyncset.done @!p0 $0x0  }
0x6c: {  	[sflag:s24] =	ssyncadd.s32 @!p0 $0xFFFFFB00;
	s24 =	simm.s32 @!p0 $0xB40  }
0x6d: {  	[tilespmem:s24], [sflag:$0x3] =	stream.indirect.gather @!p0 [hbm4b:s4+s6], $0x10, s22, s6, $0xb8;
	[tilespmem:$0x1540] =	vst v63  }
0x6e: {  	_ =	swait.ge [sflag:s31], $0x500  }
0x6f: {  	[sflag:s31] =	ssyncset.done $0x0  }
0x70: {  	s24 =	sadd.s32 s8, s11;
	s22 =	simm.s32 @p0 $0x8;
	[sflag:s31] =	ssyncadd.s32 $0xFFFFFB00  }
0x71: {  	[hbm4b:s24+s2] =	stream.linear.scatter [tilespmem:s25], [sflag:$0x8], $0x500, $0x38;
	[tilespmem:$0x1540] =	vst v63  }
0x72: {  	_ =	swait.ge @p0 [sflag:s22], $0x500  }
0x73: {  	[sflag:s22] =	ssyncset.done @p0 $0x0  }
0x74: {  	[sflag:s22] =	ssyncadd.s32 @p0 $0xFFFFFB00;
	s22 =	simm.s32 @!p0 $0xF0  }
0x75: {  	[tilespmem:s22], [sflag:$0x9] =	stream.linear.gather @!p0 [hbm4b:s13+s7], $0x50, $0x38;
	[tilespmem:$0x1540] =	vst v63  }
0x76: {  	_ =	swait.ge @!p0 [sflag:s1], $0x50  }
0x77: {  	[sflag:s1] =	ssyncset.done @!p0 $0x0  }
.Ltmp6:
0x78: {  	[sflag:s1] =	ssyncadd.s32 @!p0 $0xFFFFFFB0;
	s1 =	simm.s32 @!p0 $0x8;
	(pc) =	sbr.rel .LBB2_6-.Ltmp6, $4  }
0x79: {  	_ =	swait.ge @!p0 [sflag:s1], $0x500  }
0x7a: {  	[sflag:s1] =	ssyncset.done @!p0 $0x0  }
0x7b: {  	[sflag:s1] =	ssyncadd.s32 @!p0 $0xFFFFFB00;
	s1 =	simm.s32 @!p0 $0x1040  }
0x7c: {  	[tilespmem:s1], [sflag:$0x4] =	stream.indirect.gather @!p0 [hbm4b:s4+s6], $0x10, s22, s6, $0xb8;
	[tilespmem:$0x1540] =	vst v63  }
.LBB2_8:
0x7d: {  	_ =	sfence.sel $0x180000  }
0x7e: {  	[bflag:$0x0] =	sbarrier.arrive $0xFFFF  }
0x7f: {  	_ =	strace $0x90000047  }
0x80: {  	s0 =	stileid.u32;
	[bflag:$0x2] =	sbarrier.arrive $0xFFFF  }
0x81: {  	p0 =	sne.s32 s0, $0x0;
	s0 =	rddreg [dreg:$0x1]  }
0x82: {  	s0 =	sadd.s32 @!p0 $0x100000, s0  }
0x83: {  	[sflag:s0] =	ssyncadd.tile.s32 @!p0 $0x1;
	_ =	shalt  }
.Lfunc_end2:
_tile_overlayer_lowered:
.L_overlay_start_2:
0x84: {  	(tag) =	ssettag $0x2  }
0x85: {  	s0 =	rddreg [dreg:$0x0];
	s2 =	stileid.u32  }
0x86: {  	s1 =	rddreg [dreg:$0x1];
	p0 =	sne.s32 s2, $0x0  }
0x87: {  	s3 =	rddreg [dreg:$0x2];
	[bflag:$0x3] =	sbarrier.arrive $0xFFFF;
	s2 =	simm.s32 @!p0 $0x1C09  }
0x88: {  	[timem:s3], [sflag:s2] =	dma.local @!p0 [hbm:s0], s1  }
0x89: {  	s0 =	simm.s32 @!p0 $0x9  }
0x8a: {  	_ =	swait.ge @!p0 [sflag:s0], s1  }
0x8b: {  	s1 =	ssub.s32 @!p0 $0x0, s1;
	[sflag:s0] =	ssyncset.done @!p0 $0x0  }
0x8c: {  	[sflag:s0] =	ssyncadd.s32 @!p0 s1  }
0x8d: {  	[bflag:$0x3] =	sbarrier.arrive $0xFFFF  }
0x8e: {  	_ =	shalt  }

</sc_bundles>
